<compile_context>
chip_gen: v7x
topology: tpu7x:2x2x1
jax: 0.10.2.dev20260603
libtpu: 0.0.44.dev20260713+nightly
codegen_flags: <defaults>
</compile_context>

<pallas_src>
import functools

import jax
import jax.numpy as jnp
from jax import lax
from jax.experimental import pallas as pl
from jax.experimental.pallas import tpu as pltpu
from jax.experimental.pallas import tpu_sc as plsc

_VOCAB = 32000
_HIDDEN = 2048
_B = 4
_S = 2048
_NTOK = _B * _S
_NW = 32
_TOK_PER_W = _NTOK // _NW
_SEG_PER_ROW = _S // _TOK_PER_W
_CHUNK = 16
_NCHUNK = _TOK_PER_W // _CHUNK
_NBUF = 3
_PUT_LAG = 1

_sc_mesh = plsc.VectorSubcoreMesh(core_axis_name="c", subcore_axis_name="s")


@functools.partial(
    pl.kernel,
    out_type=jax.ShapeDtypeStruct((_B, _S, _HIDDEN), jnp.float32),
    mesh=_sc_mesh,
    scratch_types=[
        pltpu.VMEM((_TOK_PER_W,), jnp.int32),
        [pltpu.VMEM((_CHUNK, _HIDDEN), jnp.float32) for _ in range(_NBUF)],
        [pltpu.SemaphoreType.DMA for _ in range(_NBUF)],
        [pltpu.SemaphoreType.DMA for _ in range(_NBUF)],
    ],
)
def _sc_gather(idx_hbm, table_hbm, out_hbm, idx_v, bufs, gsems, osems):
    wid = lax.axis_index("s") * 2 + lax.axis_index("c")
    row = wid // _SEG_PER_ROW
    col = (wid % _SEG_PER_ROW) * _TOK_PER_W
    pltpu.sync_copy(idx_hbm.at[row, pl.ds(col, _TOK_PER_W)], idx_v)

    def gather(g, slot):
        return pltpu.make_async_copy(
            table_hbm.at[idx_v.at[pl.ds(g * _CHUNK, _CHUNK)]],
            bufs[slot],
            gsems[slot],
        )

    def put(g, slot):
        return pltpu.make_async_copy(
            bufs[slot],
            out_hbm.at[row, pl.ds(col + g * _CHUNK, _CHUNK)],
            osems[slot],
        )

    for g in range(_NBUF):
        gather(g, g).start()
    for g in range(_NCHUNK):
        gather(g, g % _NBUF).wait()
        put(g, g % _NBUF).start()
        h = g - _PUT_LAG
        if h >= 0 and h + _NBUF < _NCHUNK:
            put(h, h % _NBUF).wait()
            gather(h + _NBUF, h % _NBUF).start()
    for g in range(_NCHUNK - _NBUF, _NCHUNK):
        put(g, g % _NBUF).wait()


_MASK_BLK = 512


def _mask_body(mask_ref, pos_ref, blk_scratch):
    i = pl.program_id(0)
    b = pl.program_id(1)

    @pl.when(b == 0)
    def _():
        rows = i * _MASK_BLK + lax.broadcasted_iota(
            jnp.int32, (_MASK_BLK, _S), 0
        )
        cols = lax.broadcasted_iota(jnp.int32, (_MASK_BLK, _S), 1)
        min_val = jnp.finfo(jnp.float32).min
        blk_scratch[...] = jnp.where(cols <= rows, 0.0, min_val).astype(
            jnp.float32
        )

    mask_ref[0, 0] = blk_scratch[...]

    @pl.when((i == 0) & (b == 0))
    def _():
        pos_ref[...] = lax.broadcasted_iota(jnp.int32, (1, _S), 1)


def _tc_mask():
    return pl.pallas_call(
        _mask_body,
        grid=(_S // _MASK_BLK, _B),
        out_shape=(
            jax.ShapeDtypeStruct((_B, 1, _S, _S), jnp.float32),
            jax.ShapeDtypeStruct((1, _S), jnp.int32),
        ),
        out_specs=(
            pl.BlockSpec((1, 1, _MASK_BLK, _S), lambda i, b: (b, 0, i, 0)),
            pl.BlockSpec((1, _S), lambda i, b: (0, 0)),
        ),
        scratch_shapes=[pltpu.VMEM((_MASK_BLK, _S), jnp.float32)],
    )()


@jax.jit
def kernel(input_ids, embed_table):
    mask, pos = _tc_mask()
    hidden = _sc_gather(input_ids.astype(jnp.int32), embed_table)
    return hidden, mask, pos

# --- scband reference (transcript-rebuilt; emitter-appended) ---
"""Pipeline reference for scband-pipe-embedding-33157147525579 (READ-ONLY COPY).

The authoritative reference and input builder live on the scoring server;
editing this copy changes nothing except your own understanding.
"""

import jax, jax.numpy as jnp
import numpy as np

VOCAB = 32000
HIDDEN = 2048
B = 4
S = 2048
PAD_IDX = 0


def setup_inputs(seed: int = 0) -> dict:
    key = jax.random.key(seed)
    k1, k2 = jax.random.split(key)
    input_ids = jax.random.randint(k1, (B, S), 0, VOCAB)
    embed_table = jax.random.normal(k2, (VOCAB, HIDDEN), dtype=jnp.float32) * 0.02
    # nn.Embedding with padding_idx initializes that row to zero
    embed_table = embed_table.at[PAD_IDX].set(0.0)
    return {"input_ids": input_ids, "embed_table": embed_table}


def reference(input_ids, embed_table):
    bsz, seq_len = input_ids.shape
    # embedding lookup (gather)
    hidden_states = jnp.take(embed_table, input_ids, axis=0)
    # position_ids = arange(0, seq_len) unsqueezed -> [1, seq_len]
    position_ids = jnp.arange(seq_len, dtype=jnp.int32)[None, :]
    # causal mask: _make_causal_mask -> 0 on/below diagonal, finfo.min above
    dtype = hidden_states.dtype
    min_val = jnp.finfo(dtype).min
    idx = jnp.arange(seq_len)
    causal = jnp.where(idx[None, :] <= idx[:, None], jnp.asarray(0.0, dtype), jnp.asarray(min_val, dtype))
    causal = jnp.broadcast_to(causal[None, None, :, :], (bsz, 1, seq_len, seq_len))
    # attention_mask defaults to all-ones -> _expand_mask inverted mask is all zeros
    expanded = jnp.zeros((bsz, 1, seq_len, seq_len), dtype=dtype)
    combined_attention_mask = expanded + causal
    return hidden_states, combined_attention_mask, position_ids

if __name__ == "__main__":
    import jax
    _d = setup_inputs()
    print(jax.jit(kernel)(*tuple(_d.values())))

</pallas_src>

<mosaic_0001>
#map = affine_map<(d0, d1) -> (0, 0)>
#map1 = affine_map<(d0, d1) -> (0, 0, 0)>
module attributes {stable_mosaic.version = 14 : i64} {
  func.func @_sc_gather(%arg0: i32, %arg1: i32, %arg2: memref<4x2048xi32, #tpu.memory_space<hbm>>, %arg3: memref<32000x2048xf32, #tpu.memory_space<hbm>>, %arg4: memref<4x2048x2048xf32, #tpu.memory_space<hbm>>, %arg5: memref<256xi32, #tpu.memory_space<vmem>>, %arg6: memref<16x2048xf32, #tpu.memory_space<vmem>>, %arg7: memref<16x2048xf32, #tpu.memory_space<vmem>>, %arg8: memref<16x2048xf32, #tpu.memory_space<vmem>>, %arg9: memref<!tpu.dma_semaphore, #tpu.memory_space<semaphore_mem>>, %arg10: memref<!tpu.dma_semaphore, #tpu.memory_space<semaphore_mem>>, %arg11: memref<!tpu.dma_semaphore, #tpu.memory_space<semaphore_mem>>, %arg12: memref<!tpu.dma_semaphore, #tpu.memory_space<semaphore_mem>>, %arg13: memref<!tpu.dma_semaphore, #tpu.memory_space<semaphore_mem>>, %arg14: memref<!tpu.dma_semaphore, #tpu.memory_space<semaphore_mem>>) attributes {dimension_semantics = [#tpu.dimension_semantics<core_parallel>, #tpu.dimension_semantics<subcore_parallel>], iteration_bounds = array<i64: 2, 16>, scalar_prefetch = 0 : i64, scratch_operands = 10 : i64, tpu.core_type = #tpu.core_type<sc_vector_subcore>, window_params = [{transform_indices = #map}, {transform_indices = #map}, {transform_indices = #map1}]} {
    %mul3A = arith.constant 2 : i32
    %mul3A_0 = arith.muli %arg1, %mul3A : i32
    %add3A = arith.addi %mul3A_0, %arg0 : i32
    %jit3A = arith.constant 8 : i32
    %div3A = arith.divsi %add3A, %jit3A : i32
    %sign3A = arith.constant 0 : i32
    %sign3A_1 = arith.cmpi sgt, %add3A, %sign3A : i32
    %sign3A_2 = arith.extui %sign3A_1 : i1 to i32
    %sign3A_3 = arith.constant 0 : i32
    %sign3A_4 = arith.cmpi slt, %add3A, %sign3A_3 : i32
    %sign3A_5 = arith.extui %sign3A_4 : i1 to i32
    %sign3A_6 = arith.subi %sign3A_2, %sign3A_5 : i32
    %sign3A_7 = arith.constant 0 : i32
    %sign3A_8 = arith.cmpi sgt, %jit3A, %sign3A_7 : i32
    %sign3A_9 = arith.extui %sign3A_8 : i1 to i32
    %sign3A_10 = arith.constant 0 : i32
    %sign3A_11 = arith.cmpi slt, %jit3A, %sign3A_10 : i32
    %sign3A_12 = arith.extui %sign3A_11 : i1 to i32
    %sign3A_13 = arith.subi %sign3A_9, %sign3A_12 : i32
    %ne3A = arith.cmpi ne, %sign3A_6, %sign3A_13 : i32
    %rem3A = arith.remsi %add3A, %jit3A : i32
    %ne3A_14 = arith.constant 0 : i32
    %ne3A_15 = arith.cmpi ne, %rem3A, %ne3A_14 : i32
    %and3A = arith.andi %ne3A, %ne3A_15 : i1
    %sub3A = arith.constant 1 : i32
    %sub3A_16 = arith.subi %div3A, %sub3A : i32
    %select_n3A = arith.select %and3A, %sub3A_16, %div3A : i32
    %jit3A_17 = arith.constant 8 : i32
    %eq3A = arith.constant 0 : i32
    %eq3A_18 = arith.cmpi eq, %jit3A_17, %eq3A : i32
    %jit3A_19 = arith.constant 1 : i32
    %select_n3A_20 = arith.select %eq3A_18, %jit3A_19, %jit3A_17 : i32
    %rem3A_21 = arith.remsi %add3A, %select_n3A_20 : i32
    %ne3A_22 = arith.constant 0 : i32
    %ne3A_23 = arith.cmpi ne, %rem3A_21, %ne3A_22 : i32
    %lt3A = arith.constant 0 : i32
    %lt3A_24 = arith.cmpi slt, %rem3A_21, %lt3A : i32
    %lt3A_25 = arith.constant 0 : i32
    %lt3A_26 = arith.cmpi slt, %select_n3A_20, %lt3A_25 : i32
    %ne3A_27 = arith.xori %lt3A_24, %lt3A_26 : i1
    %and3A_28 = arith.andi %ne3A_27, %ne3A_23 : i1
    %add3A_29 = arith.addi %rem3A_21, %select_n3A_20 : i32
    %select_n3A_30 = arith.select %and3A_28, %add3A_29, %rem3A_21 : i32
    %mul3A_31 = arith.constant 256 : i32
    %mul3A_32 = arith.muli %select_n3A_30, %mul3A_31 : i32
    "tpu.region"() ({
      %run_scoped3A = tpu.sem_alloc : memref<!tpu.dma_semaphore, #tpu.memory_space<semaphore_mem>>
      %dma_start3A_447 = tpu.memref_slice %arg2[%select_n3A, %mul3A_32] : memref<4x2048xi32, #tpu.memory_space<hbm>> -> memref<1x256xi32, #tpu.memory_space<hbm>>
      %dma_start3A_448 = tpu.memref_squeeze %dma_start3A_447 : memref<1x256xi32, #tpu.memory_space<hbm>> -> memref<256xi32, #tpu.memory_space<hbm>>
      %dma_start3A_449 = tpu.memref_slice %arg2[%select_n3A, %mul3A_32] : memref<4x2048xi32, #tpu.memory_space<hbm>> -> memref<1x256xi32, #tpu.memory_space<hbm>>
      %dma_start3A_450 = tpu.memref_squeeze %dma_start3A_449 : memref<1x256xi32, #tpu.memory_space<hbm>> -> memref<256xi32, #tpu.memory_space<hbm>>
      tpu.enqueue_dma source(%dma_start3A_450 : memref<256xi32, #tpu.memory_space<hbm>>) target(%arg5 : memref<256xi32, #tpu.memory_space<vmem>>) target_semaphore(%run_scoped3A : memref<!tpu.dma_semaphore, #tpu.memory_space<semaphore_mem>>)
      %dma_wait3A_451 = tpu.memref_slice %arg2[%select_n3A, %mul3A_32] : memref<4x2048xi32, #tpu.memory_space<hbm>> -> memref<1x256xi32, #tpu.memory_space<hbm>>
      %dma_wait3A_452 = tpu.memref_squeeze %dma_wait3A_451 : memref<1x256xi32, #tpu.memory_space<hbm>> -> memref<256xi32, #tpu.memory_space<hbm>>
      %dma_wait3A_453 = tpu.memref_slice %arg2[%select_n3A, %mul3A_32] : memref<4x2048xi32, #tpu.memory_space<hbm>> -> memref<1x256xi32, #tpu.memory_space<hbm>>
      %dma_wait3A_454 = tpu.memref_squeeze %dma_wait3A_453 : memref<1x256xi32, #tpu.memory_space<hbm>> -> memref<256xi32, #tpu.memory_space<hbm>>
      tpu.wait_dma2 semaphore(%run_scoped3A : memref<!tpu.dma_semaphore, #tpu.memory_space<semaphore_mem>>) src(%dma_wait3A_454 : memref<256xi32, #tpu.memory_space<hbm>>) dst(%arg5 : memref<256xi32, #tpu.memory_space<vmem>>)
      tpu.yield
    }) : () -> ()
    %dma_start3A = arith.constant 0 : i32
    %dma_start3A_33 = tpu.memref_slice %arg5[%dma_start3A] : memref<256xi32, #tpu.memory_space<vmem>> -> memref<16xi32, #tpu.memory_space<vmem>>
    %dma_start3A_34 = arith.constant 0 : i32
    %dma_start3A_35 = arith.constant 0 : i32
    %dma_start3A_36 = tpu.memref_slice %arg3[%dma_start3A_34, %dma_start3A_35] : memref<32000x2048xf32, #tpu.memory_space<hbm>> -> memref<32000x2048xf32, #tpu.memory_space<hbm>>
    tpu.enqueue_indirect_dma source(%dma_start3A_36 : memref<32000x2048xf32, #tpu.memory_space<hbm>>) target(%arg6 : memref<16x2048xf32, #tpu.memory_space<vmem>>) offsets(%dma_start3A_33 : memref<16xi32, #tpu.memory_space<vmem>>) semaphore(%arg9 : memref<!tpu.dma_semaphore, #tpu.memory_space<semaphore_mem>>)
    %dma_start3A_37 = arith.constant 16 : i32
    %dma_start3A_38 = tpu.memref_slice %arg5[%dma_start3A_37] : memref<256xi32, #tpu.memory_space<vmem>> -> memref<16xi32, #tpu.memory_space<vmem>>
    %dma_start3A_39 = arith.constant 0 : i32
    %dma_start3A_40 = arith.constant 0 : i32
    %dma_start3A_41 = tpu.memref_slice %arg3[%dma_start3A_39, %dma_start3A_40] : memref<32000x2048xf32, #tpu.memory_space<hbm>> -> memref<32000x2048xf32, #tpu.memory_space<hbm>>
    tpu.enqueue_indirect_dma source(%dma_start3A_41 : memref<32000x2048xf32, #tpu.memory_space<hbm>>) target(%arg7 : memref<16x2048xf32, #tpu.memory_space<vmem>>) offsets(%dma_start3A_38 : memref<16xi32, #tpu.memory_space<vmem>>) semaphore(%arg10 : memref<!tpu.dma_semaphore, #tpu.memory_space<semaphore_mem>>)
    %dma_start3A_42 = arith.constant 32 : i32
    %dma_start3A_43 = tpu.memref_slice %arg5[%dma_start3A_42] : memref<256xi32, #tpu.memory_space<vmem>> -> memref<16xi32, #tpu.memory_space<vmem>>
    %dma_start3A_44 = arith.constant 0 : i32
    %dma_start3A_45 = arith.constant 0 : i32
    %dma_start3A_46 = tpu.memref_slice %arg3[%dma_start3A_44, %dma_start3A_45] : memref<32000x2048xf32, #tpu.memory_space<hbm>> -> memref<32000x2048xf32, #tpu.memory_space<hbm>>
    tpu.enqueue_indirect_dma source(%dma_start3A_46 : memref<32000x2048xf32, #tpu.memory_space<hbm>>) target(%arg8 : memref<16x2048xf32, #tpu.memory_space<vmem>>) offsets(%dma_start3A_43 : memref<16xi32, #tpu.memory_space<vmem>>) semaphore(%arg11 : memref<!tpu.dma_semaphore, #tpu.memory_space<semaphore_mem>>)
    %dma_wait3A = arith.constant 0 : i32
    %dma_wait3A_47 = tpu.memref_slice %arg5[%dma_wait3A] : memref<256xi32, #tpu.memory_space<vmem>> -> memref<16xi32, #tpu.memory_space<vmem>>
    %dma_wait3A_48 = arith.constant 0 : i32
    %dma_wait3A_49 = arith.constant 0 : i32
    %dma_wait3A_50 = tpu.memref_slice %arg3[%dma_wait3A_48, %dma_wait3A_49] : memref<32000x2048xf32, #tpu.memory_space<hbm>> -> memref<32000x2048xf32, #tpu.memory_space<hbm>>
    tpu.wait_indirect_dma semaphore(%arg9 : memref<!tpu.dma_semaphore, #tpu.memory_space<semaphore_mem>>) src(%dma_wait3A_50 : memref<32000x2048xf32, #tpu.memory_space<hbm>>) dst(%arg6 : memref<16x2048xf32, #tpu.memory_space<vmem>>)
    %add3A_51 = arith.constant 0 : i32
    %add3A_52 = arith.addi %mul3A_32, %add3A_51 : i32
    %dma_start3A_53 = arith.constant 0 : i32
    %dma_start3A_54 = tpu.memref_slice %arg4[%select_n3A, %add3A_52, %dma_start3A_53] : memref<4x2048x2048xf32, #tpu.memory_space<hbm>> -> memref<1x16x2048xf32, #tpu.memory_space<hbm>>
    %dma_start3A_55 = tpu.memref_squeeze %dma_start3A_54 : memref<1x16x2048xf32, #tpu.memory_space<hbm>> -> memref<16x2048xf32, #tpu.memory_space<hbm>>
    %dma_start3A_56 = arith.constant 0 : i32
    %dma_start3A_57 = tpu.memref_slice %arg4[%select_n3A, %add3A_52, %dma_start3A_56] : memref<4x2048x2048xf32, #tpu.memory_space<hbm>> -> memref<1x16x2048xf32, #tpu.memory_space<hbm>>
    %dma_start3A_58 = tpu.memref_squeeze %dma_start3A_57 : memref<1x16x2048xf32, #tpu.memory_space<hbm>> -> memref<16x2048xf32, #tpu.memory_space<hbm>>
    tpu.enqueue_dma source(%arg6 : memref<16x2048xf32, #tpu.memory_space<vmem>>) target(%dma_start3A_58 : memref<16x2048xf32, #tpu.memory_space<hbm>>) target_semaphore(%arg12 : memref<!tpu.dma_semaphore, #tpu.memory_space<semaphore_mem>>)
    %dma_wait3A_59 = arith.constant 16 : i32
    %dma_wait3A_60 = tpu.memref_slice %arg5[%dma_wait3A_59] : memref<256xi32, #tpu.memory_space<vmem>> -> memref<16xi32, #tpu.memory_space<vmem>>
    %dma_wait3A_61 = arith.constant 0 : i32
    %dma_wait3A_62 = arith.constant 0 : i32
    %dma_wait3A_63 = tpu.memref_slice %arg3[%dma_wait3A_61, %dma_wait3A_62] : memref<32000x2048xf32, #tpu.memory_space<hbm>> -> memref<32000x2048xf32, #tpu.memory_space<hbm>>
    tpu.wait_indirect_dma semaphore(%arg10 : memref<!tpu.dma_semaphore, #tpu.memory_space<semaphore_mem>>) src(%dma_wait3A_63 : memref<32000x2048xf32, #tpu.memory_space<hbm>>) dst(%arg7 : memref<16x2048xf32, #tpu.memory_space<vmem>>)
    %add3A_64 = arith.constant 16 : i32
    %add3A_65 = arith.addi %mul3A_32, %add3A_64 : i32
    %dma_start3A_66 = arith.constant 0 : i32
    %dma_start3A_67 = tpu.memref_slice %arg4[%select_n3A, %add3A_65, %dma_start3A_66] : memref<4x2048x2048xf32, #tpu.memory_space<hbm>> -> memref<1x16x2048xf32, #tpu.memory_space<hbm>>
    %dma_start3A_68 = tpu.memref_squeeze %dma_start3A_67 : memref<1x16x2048xf32, #tpu.memory_space<hbm>> -> memref<16x2048xf32, #tpu.memory_space<hbm>>
    %dma_start3A_69 = arith.constant 0 : i32
    %dma_start3A_70 = tpu.memref_slice %arg4[%select_n3A, %add3A_65, %dma_start3A_69] : memref<4x2048x2048xf32, #tpu.memory_space<hbm>> -> memref<1x16x2048xf32, #tpu.memory_space<hbm>>
    %dma_start3A_71 = tpu.memref_squeeze %dma_start3A_70 : memref<1x16x2048xf32, #tpu.memory_space<hbm>> -> memref<16x2048xf32, #tpu.memory_space<hbm>>
    tpu.enqueue_dma source(%arg7 : memref<16x2048xf32, #tpu.memory_space<vmem>>) target(%dma_start3A_71 : memref<16x2048xf32, #tpu.memory_space<hbm>>) target_semaphore(%arg13 : memref<!tpu.dma_semaphore, #tpu.memory_space<semaphore_mem>>)
    %add3A_72 = arith.constant 0 : i32
    %add3A_73 = arith.addi %mul3A_32, %add3A_72 : i32
    %dma_wait3A_74 = arith.constant 0 : i32
    %dma_wait3A_75 = tpu.memref_slice %arg4[%select_n3A, %add3A_73, %dma_wait3A_74] : memref<4x2048x2048xf32, #tpu.memory_space<hbm>> -> memref<1x16x2048xf32, #tpu.memory_space<hbm>>
    %dma_wait3A_76 = tpu.memref_squeeze %dma_wait3A_75 : memref<1x16x2048xf32, #tpu.memory_space<hbm>> -> memref<16x2048xf32, #tpu.memory_space<hbm>>
    %dma_wait3A_77 = arith.constant 0 : i32
    %dma_wait3A_78 = tpu.memref_slice %arg4[%select_n3A, %add3A_73, %dma_wait3A_77] : memref<4x2048x2048xf32, #tpu.memory_space<hbm>> -> memref<1x16x2048xf32, #tpu.memory_space<hbm>>
    %dma_wait3A_79 = tpu.memref_squeeze %dma_wait3A_78 : memref<1x16x2048xf32, #tpu.memory_space<hbm>> -> memref<16x2048xf32, #tpu.memory_space<hbm>>
    tpu.wait_dma2 semaphore(%arg12 : memref<!tpu.dma_semaphore, #tpu.memory_space<semaphore_mem>>) src(%arg6 : memref<16x2048xf32, #tpu.memory_space<vmem>>) dst(%dma_wait3A_79 : memref<16x2048xf32, #tpu.memory_space<hbm>>)
    %dma_start3A_80 = arith.constant 48 : i32
    %dma_start3A_81 = tpu.memref_slice %arg5[%dma_start3A_80] : memref<256xi32, #tpu.memory_space<vmem>> -> memref<16xi32, #tpu.memory_space<vmem>>
    %dma_start3A_82 = arith.constant 0 : i32
    %dma_start3A_83 = arith.constant 0 : i32
    %dma_start3A_84 = tpu.memref_slice %arg3[%dma_start3A_82, %dma_start3A_83] : memref<32000x2048xf32, #tpu.memory_space<hbm>> -> memref<32000x2048xf32, #tpu.memory_space<hbm>>
    tpu.enqueue_indirect_dma source(%dma_start3A_84 : memref<32000x2048xf32, #tpu.memory_space<hbm>>) target(%arg6 : memref<16x2048xf32, #tpu.memory_space<vmem>>) offsets(%dma_start3A_81 : memref<16xi32, #tpu.memory_space<vmem>>) semaphore(%arg9 : memref<!tpu.dma_semaphore, #tpu.memory_space<semaphore_mem>>)
    %dma_wait3A_85 = arith.constant 32 : i32
    %dma_wait3A_86 = tpu.memref_slice %arg5[%dma_wait3A_85] : memref<256xi32, #tpu.memory_space<vmem>> -> memref<16xi32, #tpu.memory_space<vmem>>
    %dma_wait3A_87 = arith.constant 0 : i32
    %dma_wait3A_88 = arith.constant 0 : i32
    %dma_wait3A_89 = tpu.memref_slice %arg3[%dma_wait3A_87, %dma_wait3A_88] : memref<32000x2048xf32, #tpu.memory_space<hbm>> -> memref<32000x2048xf32, #tpu.memory_space<hbm>>
    tpu.wait_indirect_dma semaphore(%arg11 : memref<!tpu.dma_semaphore, #tpu.memory_space<semaphore_mem>>) src(%dma_wait3A_89 : memref<32000x2048xf32, #tpu.memory_space<hbm>>) dst(%arg8 : memref<16x2048xf32, #tpu.memory_space<vmem>>)
    %add3A_90 = arith.constant 32 : i32
    %add3A_91 = arith.addi %mul3A_32, %add3A_90 : i32
    %dma_start3A_92 = arith.constant 0 : i32
    %dma_start3A_93 = tpu.memref_slice %arg4[%select_n3A, %add3A_91, %dma_start3A_92] : memref<4x2048x2048xf32, #tpu.memory_space<hbm>> -> memref<1x16x2048xf32, #tpu.memory_space<hbm>>
    %dma_start3A_94 = tpu.memref_squeeze %dma_start3A_93 : memref<1x16x2048xf32, #tpu.memory_space<hbm>> -> memref<16x2048xf32, #tpu.memory_space<hbm>>
    %dma_start3A_95 = arith.constant 0 : i32
    %dma_start3A_96 = tpu.memref_slice %arg4[%select_n3A, %add3A_91, %dma_start3A_95] : memref<4x2048x2048xf32, #tpu.memory_space<hbm>> -> memref<1x16x2048xf32, #tpu.memory_space<hbm>>
    %dma_start3A_97 = tpu.memref_squeeze %dma_start3A_96 : memref<1x16x2048xf32, #tpu.memory_space<hbm>> -> memref<16x2048xf32, #tpu.memory_space<hbm>>
    tpu.enqueue_dma source(%arg8 : memref<16x2048xf32, #tpu.memory_space<vmem>>) target(%dma_start3A_97 : memref<16x2048xf32, #tpu.memory_space<hbm>>) target_semaphore(%arg14 : memref<!tpu.dma_semaphore, #tpu.memory_space<semaphore_mem>>)
    %add3A_98 = arith.constant 16 : i32
    %add3A_99 = arith.addi %mul3A_32, %add3A_98 : i32
    %dma_wait3A_100 = arith.constant 0 : i32
    %dma_wait3A_101 = tpu.memref_slice %arg4[%select_n3A, %add3A_99, %dma_wait3A_100] : memref<4x2048x2048xf32, #tpu.memory_space<hbm>> -> memref<1x16x2048xf32, #tpu.memory_space<hbm>>
    %dma_wait3A_102 = tpu.memref_squeeze %dma_wait3A_101 : memref<1x16x2048xf32, #tpu.memory_space<hbm>> -> memref<16x2048xf32, #tpu.memory_space<hbm>>
    %dma_wait3A_103 = arith.constant 0 : i32
    %dma_wait3A_104 = tpu.memref_slice %arg4[%select_n3A, %add3A_99, %dma_wait3A_103] : memref<4x2048x2048xf32, #tpu.memory_space<hbm>> -> memref<1x16x2048xf32, #tpu.memory_space<hbm>>
    %dma_wait3A_105 = tpu.memref_squeeze %dma_wait3A_104 : memref<1x16x2048xf32, #tpu.memory_space<hbm>> -> memref<16x2048xf32, #tpu.memory_space<hbm>>
    tpu.wait_dma2 semaphore(%arg13 : memref<!tpu.dma_semaphore, #tpu.memory_space<semaphore_mem>>) src(%arg7 : memref<16x2048xf32, #tpu.memory_space<vmem>>) dst(%dma_wait3A_105 : memref<16x2048xf32, #tpu.memory_space<hbm>>)
    %dma_start3A_106 = arith.constant 64 : i32
    %dma_start3A_107 = tpu.memref_slice %arg5[%dma_start3A_106] : memref<256xi32, #tpu.memory_space<vmem>> -> memref<16xi32, #tpu.memory_space<vmem>>
    %dma_start3A_108 = arith.constant 0 : i32
    %dma_start3A_109 = arith.constant 0 : i32
    %dma_start3A_110 = tpu.memref_slice %arg3[%dma_start3A_108, %dma_start3A_109] : memref<32000x2048xf32, #tpu.memory_space<hbm>> -> memref<32000x2048xf32, #tpu.memory_space<hbm>>
    tpu.enqueue_indirect_dma source(%dma_start3A_110 : memref<32000x2048xf32, #tpu.memory_space<hbm>>) target(%arg7 : memref<16x2048xf32, #tpu.memory_space<vmem>>) offsets(%dma_start3A_107 : memref<16xi32, #tpu.memory_space<vmem>>) semaphore(%arg10 : memref<!tpu.dma_semaphore, #tpu.memory_space<semaphore_mem>>)
    %dma_wait3A_111 = arith.constant 48 : i32
    %dma_wait3A_112 = tpu.memref_slice %arg5[%dma_wait3A_111] : memref<256xi32, #tpu.memory_space<vmem>> -> memref<16xi32, #tpu.memory_space<vmem>>
    %dma_wait3A_113 = arith.constant 0 : i32
    %dma_wait3A_114 = arith.constant 0 : i32
    %dma_wait3A_115 = tpu.memref_slice %arg3[%dma_wait3A_113, %dma_wait3A_114] : memref<32000x2048xf32, #tpu.memory_space<hbm>> -> memref<32000x2048xf32, #tpu.memory_space<hbm>>
    tpu.wait_indirect_dma semaphore(%arg9 : memref<!tpu.dma_semaphore, #tpu.memory_space<semaphore_mem>>) src(%dma_wait3A_115 : memref<32000x2048xf32, #tpu.memory_space<hbm>>) dst(%arg6 : memref<16x2048xf32, #tpu.memory_space<vmem>>)
    %add3A_116 = arith.constant 48 : i32
    %add3A_117 = arith.addi %mul3A_32, %add3A_116 : i32
    %dma_start3A_118 = arith.constant 0 : i32
    %dma_start3A_119 = tpu.memref_slice %arg4[%select_n3A, %add3A_117, %dma_start3A_118] : memref<4x2048x2048xf32, #tpu.memory_space<hbm>> -> memref<1x16x2048xf32, #tpu.memory_space<hbm>>
    %dma_start3A_120 = tpu.memref_squeeze %dma_start3A_119 : memref<1x16x2048xf32, #tpu.memory_space<hbm>> -> memref<16x2048xf32, #tpu.memory_space<hbm>>
    %dma_start3A_121 = arith.constant 0 : i32
    %dma_start3A_122 = tpu.memref_slice %arg4[%select_n3A, %add3A_117, %dma_start3A_121] : memref<4x2048x2048xf32, #tpu.memory_space<hbm>> -> memref<1x16x2048xf32, #tpu.memory_space<hbm>>
    %dma_start3A_123 = tpu.memref_squeeze %dma_start3A_122 : memref<1x16x2048xf32, #tpu.memory_space<hbm>> -> memref<16x2048xf32, #tpu.memory_space<hbm>>
    tpu.enqueue_dma source(%arg6 : memref<16x2048xf32, #tpu.memory_space<vmem>>) target(%dma_start3A_123 : memref<16x2048xf32, #tpu.memory_space<hbm>>) target_semaphore(%arg12 : memref<!tpu.dma_semaphore, #tpu.memory_space<semaphore_mem>>)
    %add3A_124 = arith.constant 32 : i32
    %add3A_125 = arith.addi %mul3A_32, %add3A_124 : i32
    %dma_wait3A_126 = arith.constant 0 : i32
    %dma_wait3A_127 = tpu.memref_slice %arg4[%select_n3A, %add3A_125, %dma_wait3A_126] : memref<4x2048x2048xf32, #tpu.memory_space<hbm>> -> memref<1x16x2048xf32, #tpu.memory_space<hbm>>
    %dma_wait3A_128 = tpu.memref_squeeze %dma_wait3A_127 : memref<1x16x2048xf32, #tpu.memory_space<hbm>> -> memref<16x2048xf32, #tpu.memory_space<hbm>>
    %dma_wait3A_129 = arith.constant 0 : i32
    %dma_wait3A_130 = tpu.memref_slice %arg4[%select_n3A, %add3A_125, %dma_wait3A_129] : memref<4x2048x2048xf32, #tpu.memory_space<hbm>> -> memref<1x16x2048xf32, #tpu.memory_space<hbm>>
    %dma_wait3A_131 = tpu.memref_squeeze %dma_wait3A_130 : memref<1x16x2048xf32, #tpu.memory_space<hbm>> -> memref<16x2048xf32, #tpu.memory_space<hbm>>
    tpu.wait_dma2 semaphore(%arg14 : memref<!tpu.dma_semaphore, #tpu.memory_space<semaphore_mem>>) src(%arg8 : memref<16x2048xf32, #tpu.memory_space<vmem>>) dst(%dma_wait3A_131 : memref<16x2048xf32, #tpu.memory_space<hbm>>)
    %dma_start3A_132 = arith.constant 80 : i32
    %dma_start3A_133 = tpu.memref_slice %arg5[%dma_start3A_132] : memref<256xi32, #tpu.memory_space<vmem>> -> memref<16xi32, #tpu.memory_space<vmem>>
    %dma_start3A_134 = arith.constant 0 : i32
    %dma_start3A_135 = arith.constant 0 : i32
    %dma_start3A_136 = tpu.memref_slice %arg3[%dma_start3A_134, %dma_start3A_135] : memref<32000x2048xf32, #tpu.memory_space<hbm>> -> memref<32000x2048xf32, #tpu.memory_space<hbm>>
    tpu.enqueue_indirect_dma source(%dma_start3A_136 : memref<32000x2048xf32, #tpu.memory_space<hbm>>) target(%arg8 : memref<16x2048xf32, #tpu.memory_space<vmem>>) offsets(%dma_start3A_133 : memref<16xi32, #tpu.memory_space<vmem>>) semaphore(%arg11 : memref<!tpu.dma_semaphore, #tpu.memory_space<semaphore_mem>>)
    %dma_wait3A_137 = arith.constant 64 : i32
    %dma_wait3A_138 = tpu.memref_slice %arg5[%dma_wait3A_137] : memref<256xi32, #tpu.memory_space<vmem>> -> memref<16xi32, #tpu.memory_space<vmem>>
    %dma_wait3A_139 = arith.constant 0 : i32
    %dma_wait3A_140 = arith.constant 0 : i32
    %dma_wait3A_141 = tpu.memref_slice %arg3[%dma_wait3A_139, %dma_wait3A_140] : memref<32000x2048xf32, #tpu.memory_space<hbm>> -> memref<32000x2048xf32, #tpu.memory_space<hbm>>
    tpu.wait_indirect_dma semaphore(%arg10 : memref<!tpu.dma_semaphore, #tpu.memory_space<semaphore_mem>>) src(%dma_wait3A_141 : memref<32000x2048xf32, #tpu.memory_space<hbm>>) dst(%arg7 : memref<16x2048xf32, #tpu.memory_space<vmem>>)
    %add3A_142 = arith.constant 64 : i32
    %add3A_143 = arith.addi %mul3A_32, %add3A_142 : i32
    %dma_start3A_144 = arith.constant 0 : i32
    %dma_start3A_145 = tpu.memref_slice %arg4[%select_n3A, %add3A_143, %dma_start3A_144] : memref<4x2048x2048xf32, #tpu.memory_space<hbm>> -> memref<1x16x2048xf32, #tpu.memory_space<hbm>>
    %dma_start3A_146 = tpu.memref_squeeze %dma_start3A_145 : memref<1x16x2048xf32, #tpu.memory_space<hbm>> -> memref<16x2048xf32, #tpu.memory_space<hbm>>
    %dma_start3A_147 = arith.constant 0 : i32
    %dma_start3A_148 = tpu.memref_slice %arg4[%select_n3A, %add3A_143, %dma_start3A_147] : memref<4x2048x2048xf32, #tpu.memory_space<hbm>> -> memref<1x16x2048xf32, #tpu.memory_space<hbm>>
    %dma_start3A_149 = tpu.memref_squeeze %dma_start3A_148 : memref<1x16x2048xf32, #tpu.memory_space<hbm>> -> memref<16x2048xf32, #tpu.memory_space<hbm>>
    tpu.enqueue_dma source(%arg7 : memref<16x2048xf32, #tpu.memory_space<vmem>>) target(%dma_start3A_149 : memref<16x2048xf32, #tpu.memory_space<hbm>>) target_semaphore(%arg13 : memref<!tpu.dma_semaphore, #tpu.memory_space<semaphore_mem>>)
    %add3A_150 = arith.constant 48 : i32
    %add3A_151 = arith.addi %mul3A_32, %add3A_150 : i32
    %dma_wait3A_152 = arith.constant 0 : i32
    %dma_wait3A_153 = tpu.memref_slice %arg4[%select_n3A, %add3A_151, %dma_wait3A_152] : memref<4x2048x2048xf32, #tpu.memory_space<hbm>> -> memref<1x16x2048xf32, #tpu.memory_space<hbm>>
    %dma_wait3A_154 = tpu.memref_squeeze %dma_wait3A_153 : memref<1x16x2048xf32, #tpu.memory_space<hbm>> -> memref<16x2048xf32, #tpu.memory_space<hbm>>
    %dma_wait3A_155 = arith.constant 0 : i32
    %dma_wait3A_156 = tpu.memref_slice %arg4[%select_n3A, %add3A_151, %dma_wait3A_155] : memref<4x2048x2048xf32, #tpu.memory_space<hbm>> -> memref<1x16x2048xf32, #tpu.memory_space<hbm>>
    %dma_wait3A_157 = tpu.memref_squeeze %dma_wait3A_156 : memref<1x16x2048xf32, #tpu.memory_space<hbm>> -> memref<16x2048xf32, #tpu.memory_space<hbm>>
    tpu.wait_dma2 semaphore(%arg12 : memref<!tpu.dma_semaphore, #tpu.memory_space<semaphore_mem>>) src(%arg6 : memref<16x2048xf32, #tpu.memory_space<vmem>>) dst(%dma_wait3A_157 : memref<16x2048xf32, #tpu.memory_space<hbm>>)
    %dma_start3A_158 = arith.constant 96 : i32
    %dma_start3A_159 = tpu.memref_slice %arg5[%dma_start3A_158] : memref<256xi32, #tpu.memory_space<vmem>> -> memref<16xi32, #tpu.memory_space<vmem>>
    %dma_start3A_160 = arith.constant 0 : i32
    %dma_start3A_161 = arith.constant 0 : i32
    %dma_start3A_162 = tpu.memref_slice %arg3[%dma_start3A_160, %dma_start3A_161] : memref<32000x2048xf32, #tpu.memory_space<hbm>> -> memref<32000x2048xf32, #tpu.memory_space<hbm>>
    tpu.enqueue_indirect_dma source(%dma_start3A_162 : memref<32000x2048xf32, #tpu.memory_space<hbm>>) target(%arg6 : memref<16x2048xf32, #tpu.memory_space<vmem>>) offsets(%dma_start3A_159 : memref<16xi32, #tpu.memory_space<vmem>>) semaphore(%arg9 : memref<!tpu.dma_semaphore, #tpu.memory_space<semaphore_mem>>)
    %dma_wait3A_163 = arith.constant 80 : i32
    %dma_wait3A_164 = tpu.memref_slice %arg5[%dma_wait3A_163] : memref<256xi32, #tpu.memory_space<vmem>> -> memref<16xi32, #tpu.memory_space<vmem>>
    %dma_wait3A_165 = arith.constant 0 : i32
    %dma_wait3A_166 = arith.constant 0 : i32
    %dma_wait3A_167 = tpu.memref_slice %arg3[%dma_wait3A_165, %dma_wait3A_166] : memref<32000x2048xf32, #tpu.memory_space<hbm>> -> memref<32000x2048xf32, #tpu.memory_space<hbm>>
    tpu.wait_indirect_dma semaphore(%arg11 : memref<!tpu.dma_semaphore, #tpu.memory_space<semaphore_mem>>) src(%dma_wait3A_167 : memref<32000x2048xf32, #tpu.memory_space<hbm>>) dst(%arg8 : memref<16x2048xf32, #tpu.memory_space<vmem>>)
    %add3A_168 = arith.constant 80 : i32
    %add3A_169 = arith.addi %mul3A_32, %add3A_168 : i32
    %dma_start3A_170 = arith.constant 0 : i32
    %dma_start3A_171 = tpu.memref_slice %arg4[%select_n3A, %add3A_169, %dma_start3A_170] : memref<4x2048x2048xf32, #tpu.memory_space<hbm>> -> memref<1x16x2048xf32, #tpu.memory_space<hbm>>
    %dma_start3A_172 = tpu.memref_squeeze %dma_start3A_171 : memref<1x16x2048xf32, #tpu.memory_space<hbm>> -> memref<16x2048xf32, #tpu.memory_space<hbm>>
    %dma_start3A_173 = arith.constant 0 : i32
    %dma_start3A_174 = tpu.memref_slice %arg4[%select_n3A, %add3A_169, %dma_start3A_173] : memref<4x2048x2048xf32, #tpu.memory_space<hbm>> -> memref<1x16x2048xf32, #tpu.memory_space<hbm>>
    %dma_start3A_175 = tpu.memref_squeeze %dma_start3A_174 : memref<1x16x2048xf32, #tpu.memory_space<hbm>> -> memref<16x2048xf32, #tpu.memory_space<hbm>>
    tpu.enqueue_dma source(%arg8 : memref<16x2048xf32, #tpu.memory_space<vmem>>) target(%dma_start3A_175 : memref<16x2048xf32, #tpu.memory_space<hbm>>) target_semaphore(%arg14 : memref<!tpu.dma_semaphore, #tpu.memory_space<semaphore_mem>>)
    %add3A_176 = arith.constant 64 : i32
    %add3A_177 = arith.addi %mul3A_32, %add3A_176 : i32
    %dma_wait3A_178 = arith.constant 0 : i32
    %dma_wait3A_179 = tpu.memref_slice %arg4[%select_n3A, %add3A_177, %dma_wait3A_178] : memref<4x2048x2048xf32, #tpu.memory_space<hbm>> -> memref<1x16x2048xf32, #tpu.memory_space<hbm>>
    %dma_wait3A_180 = tpu.memref_squeeze %dma_wait3A_179 : memref<1x16x2048xf32, #tpu.memory_space<hbm>> -> memref<16x2048xf32, #tpu.memory_space<hbm>>
    %dma_wait3A_181 = arith.constant 0 : i32
    %dma_wait3A_182 = tpu.memref_slice %arg4[%select_n3A, %add3A_177, %dma_wait3A_181] : memref<4x2048x2048xf32, #tpu.memory_space<hbm>> -> memref<1x16x2048xf32, #tpu.memory_space<hbm>>
    %dma_wait3A_183 = tpu.memref_squeeze %dma_wait3A_182 : memref<1x16x2048xf32, #tpu.memory_space<hbm>> -> memref<16x2048xf32, #tpu.memory_space<hbm>>
    tpu.wait_dma2 semaphore(%arg13 : memref<!tpu.dma_semaphore, #tpu.memory_space<semaphore_mem>>) src(%arg7 : memref<16x2048xf32, #tpu.memory_space<vmem>>) dst(%dma_wait3A_183 : memref<16x2048xf32, #tpu.memory_space<hbm>>)
    %dma_start3A_184 = arith.constant 112 : i32
    %dma_start3A_185 = tpu.memref_slice %arg5[%dma_start3A_184] : memref<256xi32, #tpu.memory_space<vmem>> -> memref<16xi32, #tpu.memory_space<vmem>>
    %dma_start3A_186 = arith.constant 0 : i32
    %dma_start3A_187 = arith.constant 0 : i32
    %dma_start3A_188 = tpu.memref_slice %arg3[%dma_start3A_186, %dma_start3A_187] : memref<32000x2048xf32, #tpu.memory_space<hbm>> -> memref<32000x2048xf32, #tpu.memory_space<hbm>>
    tpu.enqueue_indirect_dma source(%dma_start3A_188 : memref<32000x2048xf32, #tpu.memory_space<hbm>>) target(%arg7 : memref<16x2048xf32, #tpu.memory_space<vmem>>) offsets(%dma_start3A_185 : memref<16xi32, #tpu.memory_space<vmem>>) semaphore(%arg10 : memref<!tpu.dma_semaphore, #tpu.memory_space<semaphore_mem>>)
    %dma_wait3A_189 = arith.constant 96 : i32
    %dma_wait3A_190 = tpu.memref_slice %arg5[%dma_wait3A_189] : memref<256xi32, #tpu.memory_space<vmem>> -> memref<16xi32, #tpu.memory_space<vmem>>
    %dma_wait3A_191 = arith.constant 0 : i32
    %dma_wait3A_192 = arith.constant 0 : i32
    %dma_wait3A_193 = tpu.memref_slice %arg3[%dma_wait3A_191, %dma_wait3A_192] : memref<32000x2048xf32, #tpu.memory_space<hbm>> -> memref<32000x2048xf32, #tpu.memory_space<hbm>>
    tpu.wait_indirect_dma semaphore(%arg9 : memref<!tpu.dma_semaphore, #tpu.memory_space<semaphore_mem>>) src(%dma_wait3A_193 : memref<32000x2048xf32, #tpu.memory_space<hbm>>) dst(%arg6 : memref<16x2048xf32, #tpu.memory_space<vmem>>)
    %add3A_194 = arith.constant 96 : i32
    %add3A_195 = arith.addi %mul3A_32, %add3A_194 : i32
    %dma_start3A_196 = arith.constant 0 : i32
    %dma_start3A_197 = tpu.memref_slice %arg4[%select_n3A, %add3A_195, %dma_start3A_196] : memref<4x2048x2048xf32, #tpu.memory_space<hbm>> -> memref<1x16x2048xf32, #tpu.memory_space<hbm>>
    %dma_start3A_198 = tpu.memref_squeeze %dma_start3A_197 : memref<1x16x2048xf32, #tpu.memory_space<hbm>> -> memref<16x2048xf32, #tpu.memory_space<hbm>>
    %dma_start3A_199 = arith.constant 0 : i32
    %dma_start3A_200 = tpu.memref_slice %arg4[%select_n3A, %add3A_195, %dma_start3A_199] : memref<4x2048x2048xf32, #tpu.memory_space<hbm>> -> memref<1x16x2048xf32, #tpu.memory_space<hbm>>
    %dma_start3A_201 = tpu.memref_squeeze %dma_start3A_200 : memref<1x16x2048xf32, #tpu.memory_space<hbm>> -> memref<16x2048xf32, #tpu.memory_space<hbm>>
    tpu.enqueue_dma source(%arg6 : memref<16x2048xf32, #tpu.memory_space<vmem>>) target(%dma_start3A_201 : memref<16x2048xf32, #tpu.memory_space<hbm>>) target_semaphore(%arg12 : memref<!tpu.dma_semaphore, #tpu.memory_space<semaphore_mem>>)
    %add3A_202 = arith.constant 80 : i32
    %add3A_203 = arith.addi %mul3A_32, %add3A_202 : i32
    %dma_wait3A_204 = arith.constant 0 : i32
    %dma_wait3A_205 = tpu.memref_slice %arg4[%select_n3A, %add3A_203, %dma_wait3A_204] : memref<4x2048x2048xf32, #tpu.memory_space<hbm>> -> memref<1x16x2048xf32, #tpu.memory_space<hbm>>
    %dma_wait3A_206 = tpu.memref_squeeze %dma_wait3A_205 : memref<1x16x2048xf32, #tpu.memory_space<hbm>> -> memref<16x2048xf32, #tpu.memory_space<hbm>>
    %dma_wait3A_207 = arith.constant 0 : i32
    %dma_wait3A_208 = tpu.memref_slice %arg4[%select_n3A, %add3A_203, %dma_wait3A_207] : memref<4x2048x2048xf32, #tpu.memory_space<hbm>> -> memref<1x16x2048xf32, #tpu.memory_space<hbm>>
    %dma_wait3A_209 = tpu.memref_squeeze %dma_wait3A_208 : memref<1x16x2048xf32, #tpu.memory_space<hbm>> -> memref<16x2048xf32, #tpu.memory_space<hbm>>
    tpu.wait_dma2 semaphore(%arg14 : memref<!tpu.dma_semaphore, #tpu.memory_space<semaphore_mem>>) src(%arg8 : memref<16x2048xf32, #tpu.memory_space<vmem>>) dst(%dma_wait3A_209 : memref<16x2048xf32, #tpu.memory_space<hbm>>)
    %dma_start3A_210 = arith.constant 128 : i32
    %dma_start3A_211 = tpu.memref_slice %arg5[%dma_start3A_210] : memref<256xi32, #tpu.memory_space<vmem>> -> memref<16xi32, #tpu.memory_space<vmem>>
    %dma_start3A_212 = arith.constant 0 : i32
    %dma_start3A_213 = arith.constant 0 : i32
    %dma_start3A_214 = tpu.memref_slice %arg3[%dma_start3A_212, %dma_start3A_213] : memref<32000x2048xf32, #tpu.memory_space<hbm>> -> memref<32000x2048xf32, #tpu.memory_space<hbm>>
    tpu.enqueue_indirect_dma source(%dma_start3A_214 : memref<32000x2048xf32, #tpu.memory_space<hbm>>) target(%arg8 : memref<16x2048xf32, #tpu.memory_space<vmem>>) offsets(%dma_start3A_211 : memref<16xi32, #tpu.memory_space<vmem>>) semaphore(%arg11 : memref<!tpu.dma_semaphore, #tpu.memory_space<semaphore_mem>>)
    %dma_wait3A_215 = arith.constant 112 : i32
    %dma_wait3A_216 = tpu.memref_slice %arg5[%dma_wait3A_215] : memref<256xi32, #tpu.memory_space<vmem>> -> memref<16xi32, #tpu.memory_space<vmem>>
    %dma_wait3A_217 = arith.constant 0 : i32
    %dma_wait3A_218 = arith.constant 0 : i32
    %dma_wait3A_219 = tpu.memref_slice %arg3[%dma_wait3A_217, %dma_wait3A_218] : memref<32000x2048xf32, #tpu.memory_space<hbm>> -> memref<32000x2048xf32, #tpu.memory_space<hbm>>
    tpu.wait_indirect_dma semaphore(%arg10 : memref<!tpu.dma_semaphore, #tpu.memory_space<semaphore_mem>>) src(%dma_wait3A_219 : memref<32000x2048xf32, #tpu.memory_space<hbm>>) dst(%arg7 : memref<16x2048xf32, #tpu.memory_space<vmem>>)
    %add3A_220 = arith.constant 112 : i32
    %add3A_221 = arith.addi %mul3A_32, %add3A_220 : i32
    %dma_start3A_222 = arith.constant 0 : i32
    %dma_start3A_223 = tpu.memref_slice %arg4[%select_n3A, %add3A_221, %dma_start3A_222] : memref<4x2048x2048xf32, #tpu.memory_space<hbm>> -> memref<1x16x2048xf32, #tpu.memory_space<hbm>>
    %dma_start3A_224 = tpu.memref_squeeze %dma_start3A_223 : memref<1x16x2048xf32, #tpu.memory_space<hbm>> -> memref<16x2048xf32, #tpu.memory_space<hbm>>
    %dma_start3A_225 = arith.constant 0 : i32
    %dma_start3A_226 = tpu.memref_slice %arg4[%select_n3A, %add3A_221, %dma_start3A_225] : memref<4x2048x2048xf32, #tpu.memory_space<hbm>> -> memref<1x16x2048xf32, #tpu.memory_space<hbm>>
    %dma_start3A_227 = tpu.memref_squeeze %dma_start3A_226 : memref<1x16x2048xf32, #tpu.memory_space<hbm>> -> memref<16x2048xf32, #tpu.memory_space<hbm>>
    tpu.enqueue_dma source(%arg7 : memref<16x2048xf32, #tpu.memory_space<vmem>>) target(%dma_start3A_227 : memref<16x2048xf32, #tpu.memory_space<hbm>>) target_semaphore(%arg13 : memref<!tpu.dma_semaphore, #tpu.memory_space<semaphore_mem>>)
    %add3A_228 = arith.constant 96 : i32
    %add3A_229 = arith.addi %mul3A_32, %add3A_228 : i32
    %dma_wait3A_230 = arith.constant 0 : i32
    %dma_wait3A_231 = tpu.memref_slice %arg4[%select_n3A, %add3A_229, %dma_wait3A_230] : memref<4x2048x2048xf32, #tpu.memory_space<hbm>> -> memref<1x16x2048xf32, #tpu.memory_space<hbm>>
    %dma_wait3A_232 = tpu.memref_squeeze %dma_wait3A_231 : memref<1x16x2048xf32, #tpu.memory_space<hbm>> -> memref<16x2048xf32, #tpu.memory_space<hbm>>
    %dma_wait3A_233 = arith.constant 0 : i32
    %dma_wait3A_234 = tpu.memref_slice %arg4[%select_n3A, %add3A_229, %dma_wait3A_233] : memref<4x2048x2048xf32, #tpu.memory_space<hbm>> -> memref<1x16x2048xf32, #tpu.memory_space<hbm>>
    %dma_wait3A_235 = tpu.memref_squeeze %dma_wait3A_234 : memref<1x16x2048xf32, #tpu.memory_space<hbm>> -> memref<16x2048xf32, #tpu.memory_space<hbm>>
    tpu.wait_dma2 semaphore(%arg12 : memref<!tpu.dma_semaphore, #tpu.memory_space<semaphore_mem>>) src(%arg6 : memref<16x2048xf32, #tpu.memory_space<vmem>>) dst(%dma_wait3A_235 : memref<16x2048xf32, #tpu.memory_space<hbm>>)
    %dma_start3A_236 = arith.constant 144 : i32
    %dma_start3A_237 = tpu.memref_slice %arg5[%dma_start3A_236] : memref<256xi32, #tpu.memory_space<vmem>> -> memref<16xi32, #tpu.memory_space<vmem>>
    %dma_start3A_238 = arith.constant 0 : i32
    %dma_start3A_239 = arith.constant 0 : i32
    %dma_start3A_240 = tpu.memref_slice %arg3[%dma_start3A_238, %dma_start3A_239] : memref<32000x2048xf32, #tpu.memory_space<hbm>> -> memref<32000x2048xf32, #tpu.memory_space<hbm>>
    tpu.enqueue_indirect_dma source(%dma_start3A_240 : memref<32000x2048xf32, #tpu.memory_space<hbm>>) target(%arg6 : memref<16x2048xf32, #tpu.memory_space<vmem>>) offsets(%dma_start3A_237 : memref<16xi32, #tpu.memory_space<vmem>>) semaphore(%arg9 : memref<!tpu.dma_semaphore, #tpu.memory_space<semaphore_mem>>)
    %dma_wait3A_241 = arith.constant 128 : i32
    %dma_wait3A_242 = tpu.memref_slice %arg5[%dma_wait3A_241] : memref<256xi32, #tpu.memory_space<vmem>> -> memref<16xi32, #tpu.memory_space<vmem>>
    %dma_wait3A_243 = arith.constant 0 : i32
    %dma_wait3A_244 = arith.constant 0 : i32
    %dma_wait3A_245 = tpu.memref_slice %arg3[%dma_wait3A_243, %dma_wait3A_244] : memref<32000x2048xf32, #tpu.memory_space<hbm>> -> memref<32000x2048xf32, #tpu.memory_space<hbm>>
    tpu.wait_indirect_dma semaphore(%arg11 : memref<!tpu.dma_semaphore, #tpu.memory_space<semaphore_mem>>) src(%dma_wait3A_245 : memref<32000x2048xf32, #tpu.memory_space<hbm>>) dst(%arg8 : memref<16x2048xf32, #tpu.memory_space<vmem>>)
    %add3A_246 = arith.constant 128 : i32
    %add3A_247 = arith.addi %mul3A_32, %add3A_246 : i32
    %dma_start3A_248 = arith.constant 0 : i32
    %dma_start3A_249 = tpu.memref_slice %arg4[%select_n3A, %add3A_247, %dma_start3A_248] : memref<4x2048x2048xf32, #tpu.memory_space<hbm>> -> memref<1x16x2048xf32, #tpu.memory_space<hbm>>
    %dma_start3A_250 = tpu.memref_squeeze %dma_start3A_249 : memref<1x16x2048xf32, #tpu.memory_space<hbm>> -> memref<16x2048xf32, #tpu.memory_space<hbm>>
    %dma_start3A_251 = arith.constant 0 : i32
    %dma_start3A_252 = tpu.memref_slice %arg4[%select_n3A, %add3A_247, %dma_start3A_251] : memref<4x2048x2048xf32, #tpu.memory_space<hbm>> -> memref<1x16x2048xf32, #tpu.memory_space<hbm>>
    %dma_start3A_253 = tpu.memref_squeeze %dma_start3A_252 : memref<1x16x2048xf32, #tpu.memory_space<hbm>> -> memref<16x2048xf32, #tpu.memory_space<hbm>>
    tpu.enqueue_dma source(%arg8 : memref<16x2048xf32, #tpu.memory_space<vmem>>) target(%dma_start3A_253 : memref<16x2048xf32, #tpu.memory_space<hbm>>) target_semaphore(%arg14 : memref<!tpu.dma_semaphore, #tpu.memory_space<semaphore_mem>>)
    %add3A_254 = arith.constant 112 : i32
    %add3A_255 = arith.addi %mul3A_32, %add3A_254 : i32
    %dma_wait3A_256 = arith.constant 0 : i32
    %dma_wait3A_257 = tpu.memref_slice %arg4[%select_n3A, %add3A_255, %dma_wait3A_256] : memref<4x2048x2048xf32, #tpu.memory_space<hbm>> -> memref<1x16x2048xf32, #tpu.memory_space<hbm>>
    %dma_wait3A_258 = tpu.memref_squeeze %dma_wait3A_257 : memref<1x16x2048xf32, #tpu.memory_space<hbm>> -> memref<16x2048xf32, #tpu.memory_space<hbm>>
    %dma_wait3A_259 = arith.constant 0 : i32
    %dma_wait3A_260 = tpu.memref_slice %arg4[%select_n3A, %add3A_255, %dma_wait3A_259] : memref<4x2048x2048xf32, #tpu.memory_space<hbm>> -> memref<1x16x2048xf32, #tpu.memory_space<hbm>>
    %dma_wait3A_261 = tpu.memref_squeeze %dma_wait3A_260 : memref<1x16x2048xf32, #tpu.memory_space<hbm>> -> memref<16x2048xf32, #tpu.memory_space<hbm>>
    tpu.wait_dma2 semaphore(%arg13 : memref<!tpu.dma_semaphore, #tpu.memory_space<semaphore_mem>>) src(%arg7 : memref<16x2048xf32, #tpu.memory_space<vmem>>) dst(%dma_wait3A_261 : memref<16x2048xf32, #tpu.memory_space<hbm>>)
    %dma_start3A_262 = arith.constant 160 : i32
    %dma_start3A_263 = tpu.memref_slice %arg5[%dma_start3A_262] : memref<256xi32, #tpu.memory_space<vmem>> -> memref<16xi32, #tpu.memory_space<vmem>>
    %dma_start3A_264 = arith.constant 0 : i32
    %dma_start3A_265 = arith.constant 0 : i32
    %dma_start3A_266 = tpu.memref_slice %arg3[%dma_start3A_264, %dma_start3A_265] : memref<32000x2048xf32, #tpu.memory_space<hbm>> -> memref<32000x2048xf32, #tpu.memory_space<hbm>>
    tpu.enqueue_indirect_dma source(%dma_start3A_266 : memref<32000x2048xf32, #tpu.memory_space<hbm>>) target(%arg7 : memref<16x2048xf32, #tpu.memory_space<vmem>>) offsets(%dma_start3A_263 : memref<16xi32, #tpu.memory_space<vmem>>) semaphore(%arg10 : memref<!tpu.dma_semaphore, #tpu.memory_space<semaphore_mem>>)
    %dma_wait3A_267 = arith.constant 144 : i32
    %dma_wait3A_268 = tpu.memref_slice %arg5[%dma_wait3A_267] : memref<256xi32, #tpu.memory_space<vmem>> -> memref<16xi32, #tpu.memory_space<vmem>>
    %dma_wait3A_269 = arith.constant 0 : i32
    %dma_wait3A_270 = arith.constant 0 : i32
    %dma_wait3A_271 = tpu.memref_slice %arg3[%dma_wait3A_269, %dma_wait3A_270] : memref<32000x2048xf32, #tpu.memory_space<hbm>> -> memref<32000x2048xf32, #tpu.memory_space<hbm>>
    tpu.wait_indirect_dma semaphore(%arg9 : memref<!tpu.dma_semaphore, #tpu.memory_space<semaphore_mem>>) src(%dma_wait3A_271 : memref<32000x2048xf32, #tpu.memory_space<hbm>>) dst(%arg6 : memref<16x2048xf32, #tpu.memory_space<vmem>>)
    %add3A_272 = arith.constant 144 : i32
    %add3A_273 = arith.addi %mul3A_32, %add3A_272 : i32
    %dma_start3A_274 = arith.constant 0 : i32
    %dma_start3A_275 = tpu.memref_slice %arg4[%select_n3A, %add3A_273, %dma_start3A_274] : memref<4x2048x2048xf32, #tpu.memory_space<hbm>> -> memref<1x16x2048xf32, #tpu.memory_space<hbm>>
    %dma_start3A_276 = tpu.memref_squeeze %dma_start3A_275 : memref<1x16x2048xf32, #tpu.memory_space<hbm>> -> memref<16x2048xf32, #tpu.memory_space<hbm>>
    %dma_start3A_277 = arith.constant 0 : i32
    %dma_start3A_278 = tpu.memref_slice %arg4[%select_n3A, %add3A_273, %dma_start3A_277] : memref<4x2048x2048xf32, #tpu.memory_space<hbm>> -> memref<1x16x2048xf32, #tpu.memory_space<hbm>>
    %dma_start3A_279 = tpu.memref_squeeze %dma_start3A_278 : memref<1x16x2048xf32, #tpu.memory_space<hbm>> -> memref<16x2048xf32, #tpu.memory_space<hbm>>
    tpu.enqueue_dma source(%arg6 : memref<16x2048xf32, #tpu.memory_space<vmem>>) target(%dma_start3A_279 : memref<16x2048xf32, #tpu.memory_space<hbm>>) target_semaphore(%arg12 : memref<!tpu.dma_semaphore, #tpu.memory_space<semaphore_mem>>)
    %add3A_280 = arith.constant 128 : i32
    %add3A_281 = arith.addi %mul3A_32, %add3A_280 : i32
    %dma_wait3A_282 = arith.constant 0 : i32
    %dma_wait3A_283 = tpu.memref_slice %arg4[%select_n3A, %add3A_281, %dma_wait3A_282] : memref<4x2048x2048xf32, #tpu.memory_space<hbm>> -> memref<1x16x2048xf32, #tpu.memory_space<hbm>>
    %dma_wait3A_284 = tpu.memref_squeeze %dma_wait3A_283 : memref<1x16x2048xf32, #tpu.memory_space<hbm>> -> memref<16x2048xf32, #tpu.memory_space<hbm>>
    %dma_wait3A_285 = arith.constant 0 : i32
    %dma_wait3A_286 = tpu.memref_slice %arg4[%select_n3A, %add3A_281, %dma_wait3A_285] : memref<4x2048x2048xf32, #tpu.memory_space<hbm>> -> memref<1x16x2048xf32, #tpu.memory_space<hbm>>
    %dma_wait3A_287 = tpu.memref_squeeze %dma_wait3A_286 : memref<1x16x2048xf32, #tpu.memory_space<hbm>> -> memref<16x2048xf32, #tpu.memory_space<hbm>>
    tpu.wait_dma2 semaphore(%arg14 : memref<!tpu.dma_semaphore, #tpu.memory_space<semaphore_mem>>) src(%arg8 : memref<16x2048xf32, #tpu.memory_space<vmem>>) dst(%dma_wait3A_287 : memref<16x2048xf32, #tpu.memory_space<hbm>>)
    %dma_start3A_288 = arith.constant 176 : i32
    %dma_start3A_289 = tpu.memref_slice %arg5[%dma_start3A_288] : memref<256xi32, #tpu.memory_space<vmem>> -> memref<16xi32, #tpu.memory_space<vmem>>
    %dma_start3A_290 = arith.constant 0 : i32
    %dma_start3A_291 = arith.constant 0 : i32
    %dma_start3A_292 = tpu.memref_slice %arg3[%dma_start3A_290, %dma_start3A_291] : memref<32000x2048xf32, #tpu.memory_space<hbm>> -> memref<32000x2048xf32, #tpu.memory_space<hbm>>
    tpu.enqueue_indirect_dma source(%dma_start3A_292 : memref<32000x2048xf32, #tpu.memory_space<hbm>>) target(%arg8 : memref<16x2048xf32, #tpu.memory_space<vmem>>) offsets(%dma_start3A_289 : memref<16xi32, #tpu.memory_space<vmem>>) semaphore(%arg11 : memref<!tpu.dma_semaphore, #tpu.memory_space<semaphore_mem>>)
    %dma_wait3A_293 = arith.constant 160 : i32
    %dma_wait3A_294 = tpu.memref_slice %arg5[%dma_wait3A_293] : memref<256xi32, #tpu.memory_space<vmem>> -> memref<16xi32, #tpu.memory_space<vmem>>
    %dma_wait3A_295 = arith.constant 0 : i32
    %dma_wait3A_296 = arith.constant 0 : i32
    %dma_wait3A_297 = tpu.memref_slice %arg3[%dma_wait3A_295, %dma_wait3A_296] : memref<32000x2048xf32, #tpu.memory_space<hbm>> -> memref<32000x2048xf32, #tpu.memory_space<hbm>>
    tpu.wait_indirect_dma semaphore(%arg10 : memref<!tpu.dma_semaphore, #tpu.memory_space<semaphore_mem>>) src(%dma_wait3A_297 : memref<32000x2048xf32, #tpu.memory_space<hbm>>) dst(%arg7 : memref<16x2048xf32, #tpu.memory_space<vmem>>)
    %add3A_298 = arith.constant 160 : i32
    %add3A_299 = arith.addi %mul3A_32, %add3A_298 : i32
    %dma_start3A_300 = arith.constant 0 : i32
    %dma_start3A_301 = tpu.memref_slice %arg4[%select_n3A, %add3A_299, %dma_start3A_300] : memref<4x2048x2048xf32, #tpu.memory_space<hbm>> -> memref<1x16x2048xf32, #tpu.memory_space<hbm>>
    %dma_start3A_302 = tpu.memref_squeeze %dma_start3A_301 : memref<1x16x2048xf32, #tpu.memory_space<hbm>> -> memref<16x2048xf32, #tpu.memory_space<hbm>>
    %dma_start3A_303 = arith.constant 0 : i32
    %dma_start3A_304 = tpu.memref_slice %arg4[%select_n3A, %add3A_299, %dma_start3A_303] : memref<4x2048x2048xf32, #tpu.memory_space<hbm>> -> memref<1x16x2048xf32, #tpu.memory_space<hbm>>
    %dma_start3A_305 = tpu.memref_squeeze %dma_start3A_304 : memref<1x16x2048xf32, #tpu.memory_space<hbm>> -> memref<16x2048xf32, #tpu.memory_space<hbm>>
    tpu.enqueue_dma source(%arg7 : memref<16x2048xf32, #tpu.memory_space<vmem>>) target(%dma_start3A_305 : memref<16x2048xf32, #tpu.memory_space<hbm>>) target_semaphore(%arg13 : memref<!tpu.dma_semaphore, #tpu.memory_space<semaphore_mem>>)
    %add3A_306 = arith.constant 144 : i32
    %add3A_307 = arith.addi %mul3A_32, %add3A_306 : i32
    %dma_wait3A_308 = arith.constant 0 : i32
    %dma_wait3A_309 = tpu.memref_slice %arg4[%select_n3A, %add3A_307, %dma_wait3A_308] : memref<4x2048x2048xf32, #tpu.memory_space<hbm>> -> memref<1x16x2048xf32, #tpu.memory_space<hbm>>
    %dma_wait3A_310 = tpu.memref_squeeze %dma_wait3A_309 : memref<1x16x2048xf32, #tpu.memory_space<hbm>> -> memref<16x2048xf32, #tpu.memory_space<hbm>>
    %dma_wait3A_311 = arith.constant 0 : i32
    %dma_wait3A_312 = tpu.memref_slice %arg4[%select_n3A, %add3A_307, %dma_wait3A_311] : memref<4x2048x2048xf32, #tpu.memory_space<hbm>> -> memref<1x16x2048xf32, #tpu.memory_space<hbm>>
    %dma_wait3A_313 = tpu.memref_squeeze %dma_wait3A_312 : memref<1x16x2048xf32, #tpu.memory_space<hbm>> -> memref<16x2048xf32, #tpu.memory_space<hbm>>
    tpu.wait_dma2 semaphore(%arg12 : memref<!tpu.dma_semaphore, #tpu.memory_space<semaphore_mem>>) src(%arg6 : memref<16x2048xf32, #tpu.memory_space<vmem>>) dst(%dma_wait3A_313 : memref<16x2048xf32, #tpu.memory_space<hbm>>)
    %dma_start3A_314 = arith.constant 192 : i32
    %dma_start3A_315 = tpu.memref_slice %arg5[%dma_start3A_314] : memref<256xi32, #tpu.memory_space<vmem>> -> memref<16xi32, #tpu.memory_space<vmem>>
    %dma_start3A_316 = arith.constant 0 : i32
    %dma_start3A_317 = arith.constant 0 : i32
    %dma_start3A_318 = tpu.memref_slice %arg3[%dma_start3A_316, %dma_start3A_317] : memref<32000x2048xf32, #tpu.memory_space<hbm>> -> memref<32000x2048xf32, #tpu.memory_space<hbm>>
    tpu.enqueue_indirect_dma source(%dma_start3A_318 : memref<32000x2048xf32, #tpu.memory_space<hbm>>) target(%arg6 : memref<16x2048xf32, #tpu.memory_space<vmem>>) offsets(%dma_start3A_315 : memref<16xi32, #tpu.memory_space<vmem>>) semaphore(%arg9 : memref<!tpu.dma_semaphore, #tpu.memory_space<semaphore_mem>>)
    %dma_wait3A_319 = arith.constant 176 : i32
    %dma_wait3A_320 = tpu.memref_slice %arg5[%dma_wait3A_319] : memref<256xi32, #tpu.memory_space<vmem>> -> memref<16xi32, #tpu.memory_space<vmem>>
    %dma_wait3A_321 = arith.constant 0 : i32
    %dma_wait3A_322 = arith.constant 0 : i32
    %dma_wait3A_323 = tpu.memref_slice %arg3[%dma_wait3A_321, %dma_wait3A_322] : memref<32000x2048xf32, #tpu.memory_space<hbm>> -> memref<32000x2048xf32, #tpu.memory_space<hbm>>
    tpu.wait_indirect_dma semaphore(%arg11 : memref<!tpu.dma_semaphore, #tpu.memory_space<semaphore_mem>>) src(%dma_wait3A_323 : memref<32000x2048xf32, #tpu.memory_space<hbm>>) dst(%arg8 : memref<16x2048xf32, #tpu.memory_space<vmem>>)
    %add3A_324 = arith.constant 176 : i32
    %add3A_325 = arith.addi %mul3A_32, %add3A_324 : i32
    %dma_start3A_326 = arith.constant 0 : i32
    %dma_start3A_327 = tpu.memref_slice %arg4[%select_n3A, %add3A_325, %dma_start3A_326] : memref<4x2048x2048xf32, #tpu.memory_space<hbm>> -> memref<1x16x2048xf32, #tpu.memory_space<hbm>>
    %dma_start3A_328 = tpu.memref_squeeze %dma_start3A_327 : memref<1x16x2048xf32, #tpu.memory_space<hbm>> -> memref<16x2048xf32, #tpu.memory_space<hbm>>
    %dma_start3A_329 = arith.constant 0 : i32
    %dma_start3A_330 = tpu.memref_slice %arg4[%select_n3A, %add3A_325, %dma_start3A_329] : memref<4x2048x2048xf32, #tpu.memory_space<hbm>> -> memref<1x16x2048xf32, #tpu.memory_space<hbm>>
    %dma_start3A_331 = tpu.memref_squeeze %dma_start3A_330 : memref<1x16x2048xf32, #tpu.memory_space<hbm>> -> memref<16x2048xf32, #tpu.memory_space<hbm>>
    tpu.enqueue_dma source(%arg8 : memref<16x2048xf32, #tpu.memory_space<vmem>>) target(%dma_start3A_331 : memref<16x2048xf32, #tpu.memory_space<hbm>>) target_semaphore(%arg14 : memref<!tpu.dma_semaphore, #tpu.memory_space<semaphore_mem>>)
    %add3A_332 = arith.constant 160 : i32
    %add3A_333 = arith.addi %mul3A_32, %add3A_332 : i32
    %dma_wait3A_334 = arith.constant 0 : i32
    %dma_wait3A_335 = tpu.memref_slice %arg4[%select_n3A, %add3A_333, %dma_wait3A_334] : memref<4x2048x2048xf32, #tpu.memory_space<hbm>> -> memref<1x16x2048xf32, #tpu.memory_space<hbm>>
    %dma_wait3A_336 = tpu.memref_squeeze %dma_wait3A_335 : memref<1x16x2048xf32, #tpu.memory_space<hbm>> -> memref<16x2048xf32, #tpu.memory_space<hbm>>
    %dma_wait3A_337 = arith.constant 0 : i32
    %dma_wait3A_338 = tpu.memref_slice %arg4[%select_n3A, %add3A_333, %dma_wait3A_337] : memref<4x2048x2048xf32, #tpu.memory_space<hbm>> -> memref<1x16x2048xf32, #tpu.memory_space<hbm>>
    %dma_wait3A_339 = tpu.memref_squeeze %dma_wait3A_338 : memref<1x16x2048xf32, #tpu.memory_space<hbm>> -> memref<16x2048xf32, #tpu.memory_space<hbm>>
    tpu.wait_dma2 semaphore(%arg13 : memref<!tpu.dma_semaphore, #tpu.memory_space<semaphore_mem>>) src(%arg7 : memref<16x2048xf32, #tpu.memory_space<vmem>>) dst(%dma_wait3A_339 : memref<16x2048xf32, #tpu.memory_space<hbm>>)
    %dma_start3A_340 = arith.constant 208 : i32
    %dma_start3A_341 = tpu.memref_slice %arg5[%dma_start3A_340] : memref<256xi32, #tpu.memory_space<vmem>> -> memref<16xi32, #tpu.memory_space<vmem>>
    %dma_start3A_342 = arith.constant 0 : i32
    %dma_start3A_343 = arith.constant 0 : i32
    %dma_start3A_344 = tpu.memref_slice %arg3[%dma_start3A_342, %dma_start3A_343] : memref<32000x2048xf32, #tpu.memory_space<hbm>> -> memref<32000x2048xf32, #tpu.memory_space<hbm>>
    tpu.enqueue_indirect_dma source(%dma_start3A_344 : memref<32000x2048xf32, #tpu.memory_space<hbm>>) target(%arg7 : memref<16x2048xf32, #tpu.memory_space<vmem>>) offsets(%dma_start3A_341 : memref<16xi32, #tpu.memory_space<vmem>>) semaphore(%arg10 : memref<!tpu.dma_semaphore, #tpu.memory_space<semaphore_mem>>)
    %dma_wait3A_345 = arith.constant 192 : i32
    %dma_wait3A_346 = tpu.memref_slice %arg5[%dma_wait3A_345] : memref<256xi32, #tpu.memory_space<vmem>> -> memref<16xi32, #tpu.memory_space<vmem>>
    %dma_wait3A_347 = arith.constant 0 : i32
    %dma_wait3A_348 = arith.constant 0 : i32
    %dma_wait3A_349 = tpu.memref_slice %arg3[%dma_wait3A_347, %dma_wait3A_348] : memref<32000x2048xf32, #tpu.memory_space<hbm>> -> memref<32000x2048xf32, #tpu.memory_space<hbm>>
    tpu.wait_indirect_dma semaphore(%arg9 : memref<!tpu.dma_semaphore, #tpu.memory_space<semaphore_mem>>) src(%dma_wait3A_349 : memref<32000x2048xf32, #tpu.memory_space<hbm>>) dst(%arg6 : memref<16x2048xf32, #tpu.memory_space<vmem>>)
    %add3A_350 = arith.constant 192 : i32
    %add3A_351 = arith.addi %mul3A_32, %add3A_350 : i32
    %dma_start3A_352 = arith.constant 0 : i32
    %dma_start3A_353 = tpu.memref_slice %arg4[%select_n3A, %add3A_351, %dma_start3A_352] : memref<4x2048x2048xf32, #tpu.memory_space<hbm>> -> memref<1x16x2048xf32, #tpu.memory_space<hbm>>
    %dma_start3A_354 = tpu.memref_squeeze %dma_start3A_353 : memref<1x16x2048xf32, #tpu.memory_space<hbm>> -> memref<16x2048xf32, #tpu.memory_space<hbm>>
    %dma_start3A_355 = arith.constant 0 : i32
    %dma_start3A_356 = tpu.memref_slice %arg4[%select_n3A, %add3A_351, %dma_start3A_355] : memref<4x2048x2048xf32, #tpu.memory_space<hbm>> -> memref<1x16x2048xf32, #tpu.memory_space<hbm>>
    %dma_start3A_357 = tpu.memref_squeeze %dma_start3A_356 : memref<1x16x2048xf32, #tpu.memory_space<hbm>> -> memref<16x2048xf32, #tpu.memory_space<hbm>>
    tpu.enqueue_dma source(%arg6 : memref<16x2048xf32, #tpu.memory_space<vmem>>) target(%dma_start3A_357 : memref<16x2048xf32, #tpu.memory_space<hbm>>) target_semaphore(%arg12 : memref<!tpu.dma_semaphore, #tpu.memory_space<semaphore_mem>>)
    %add3A_358 = arith.constant 176 : i32
    %add3A_359 = arith.addi %mul3A_32, %add3A_358 : i32
    %dma_wait3A_360 = arith.constant 0 : i32
    %dma_wait3A_361 = tpu.memref_slice %arg4[%select_n3A, %add3A_359, %dma_wait3A_360] : memref<4x2048x2048xf32, #tpu.memory_space<hbm>> -> memref<1x16x2048xf32, #tpu.memory_space<hbm>>
    %dma_wait3A_362 = tpu.memref_squeeze %dma_wait3A_361 : memref<1x16x2048xf32, #tpu.memory_space<hbm>> -> memref<16x2048xf32, #tpu.memory_space<hbm>>
    %dma_wait3A_363 = arith.constant 0 : i32
    %dma_wait3A_364 = tpu.memref_slice %arg4[%select_n3A, %add3A_359, %dma_wait3A_363] : memref<4x2048x2048xf32, #tpu.memory_space<hbm>> -> memref<1x16x2048xf32, #tpu.memory_space<hbm>>
    %dma_wait3A_365 = tpu.memref_squeeze %dma_wait3A_364 : memref<1x16x2048xf32, #tpu.memory_space<hbm>> -> memref<16x2048xf32, #tpu.memory_space<hbm>>
    tpu.wait_dma2 semaphore(%arg14 : memref<!tpu.dma_semaphore, #tpu.memory_space<semaphore_mem>>) src(%arg8 : memref<16x2048xf32, #tpu.memory_space<vmem>>) dst(%dma_wait3A_365 : memref<16x2048xf32, #tpu.memory_space<hbm>>)
    %dma_start3A_366 = arith.constant 224 : i32
    %dma_start3A_367 = tpu.memref_slice %arg5[%dma_start3A_366] : memref<256xi32, #tpu.memory_space<vmem>> -> memref<16xi32, #tpu.memory_space<vmem>>
    %dma_start3A_368 = arith.constant 0 : i32
    %dma_start3A_369 = arith.constant 0 : i32
    %dma_start3A_370 = tpu.memref_slice %arg3[%dma_start3A_368, %dma_start3A_369] : memref<32000x2048xf32, #tpu.memory_space<hbm>> -> memref<32000x2048xf32, #tpu.memory_space<hbm>>
    tpu.enqueue_indirect_dma source(%dma_start3A_370 : memref<32000x2048xf32, #tpu.memory_space<hbm>>) target(%arg8 : memref<16x2048xf32, #tpu.memory_space<vmem>>) offsets(%dma_start3A_367 : memref<16xi32, #tpu.memory_space<vmem>>) semaphore(%arg11 : memref<!tpu.dma_semaphore, #tpu.memory_space<semaphore_mem>>)
    %dma_wait3A_371 = arith.constant 208 : i32
    %dma_wait3A_372 = tpu.memref_slice %arg5[%dma_wait3A_371] : memref<256xi32, #tpu.memory_space<vmem>> -> memref<16xi32, #tpu.memory_space<vmem>>
    %dma_wait3A_373 = arith.constant 0 : i32
    %dma_wait3A_374 = arith.constant 0 : i32
    %dma_wait3A_375 = tpu.memref_slice %arg3[%dma_wait3A_373, %dma_wait3A_374] : memref<32000x2048xf32, #tpu.memory_space<hbm>> -> memref<32000x2048xf32, #tpu.memory_space<hbm>>
    tpu.wait_indirect_dma semaphore(%arg10 : memref<!tpu.dma_semaphore, #tpu.memory_space<semaphore_mem>>) src(%dma_wait3A_375 : memref<32000x2048xf32, #tpu.memory_space<hbm>>) dst(%arg7 : memref<16x2048xf32, #tpu.memory_space<vmem>>)
    %add3A_376 = arith.constant 208 : i32
    %add3A_377 = arith.addi %mul3A_32, %add3A_376 : i32
    %dma_start3A_378 = arith.constant 0 : i32
    %dma_start3A_379 = tpu.memref_slice %arg4[%select_n3A, %add3A_377, %dma_start3A_378] : memref<4x2048x2048xf32, #tpu.memory_space<hbm>> -> memref<1x16x2048xf32, #tpu.memory_space<hbm>>
    %dma_start3A_380 = tpu.memref_squeeze %dma_start3A_379 : memref<1x16x2048xf32, #tpu.memory_space<hbm>> -> memref<16x2048xf32, #tpu.memory_space<hbm>>
    %dma_start3A_381 = arith.constant 0 : i32
    %dma_start3A_382 = tpu.memref_slice %arg4[%select_n3A, %add3A_377, %dma_start3A_381] : memref<4x2048x2048xf32, #tpu.memory_space<hbm>> -> memref<1x16x2048xf32, #tpu.memory_space<hbm>>
    %dma_start3A_383 = tpu.memref_squeeze %dma_start3A_382 : memref<1x16x2048xf32, #tpu.memory_space<hbm>> -> memref<16x2048xf32, #tpu.memory_space<hbm>>
    tpu.enqueue_dma source(%arg7 : memref<16x2048xf32, #tpu.memory_space<vmem>>) target(%dma_start3A_383 : memref<16x2048xf32, #tpu.memory_space<hbm>>) target_semaphore(%arg13 : memref<!tpu.dma_semaphore, #tpu.memory_space<semaphore_mem>>)
    %add3A_384 = arith.constant 192 : i32
    %add3A_385 = arith.addi %mul3A_32, %add3A_384 : i32
    %dma_wait3A_386 = arith.constant 0 : i32
    %dma_wait3A_387 = tpu.memref_slice %arg4[%select_n3A, %add3A_385, %dma_wait3A_386] : memref<4x2048x2048xf32, #tpu.memory_space<hbm>> -> memref<1x16x2048xf32, #tpu.memory_space<hbm>>
    %dma_wait3A_388 = tpu.memref_squeeze %dma_wait3A_387 : memref<1x16x2048xf32, #tpu.memory_space<hbm>> -> memref<16x2048xf32, #tpu.memory_space<hbm>>
    %dma_wait3A_389 = arith.constant 0 : i32
    %dma_wait3A_390 = tpu.memref_slice %arg4[%select_n3A, %add3A_385, %dma_wait3A_389] : memref<4x2048x2048xf32, #tpu.memory_space<hbm>> -> memref<1x16x2048xf32, #tpu.memory_space<hbm>>
    %dma_wait3A_391 = tpu.memref_squeeze %dma_wait3A_390 : memref<1x16x2048xf32, #tpu.memory_space<hbm>> -> memref<16x2048xf32, #tpu.memory_space<hbm>>
    tpu.wait_dma2 semaphore(%arg12 : memref<!tpu.dma_semaphore, #tpu.memory_space<semaphore_mem>>) src(%arg6 : memref<16x2048xf32, #tpu.memory_space<vmem>>) dst(%dma_wait3A_391 : memref<16x2048xf32, #tpu.memory_space<hbm>>)
    %dma_start3A_392 = arith.constant 240 : i32
    %dma_start3A_393 = tpu.memref_slice %arg5[%dma_start3A_392] : memref<256xi32, #tpu.memory_space<vmem>> -> memref<16xi32, #tpu.memory_space<vmem>>
    %dma_start3A_394 = arith.constant 0 : i32
    %dma_start3A_395 = arith.constant 0 : i32
    %dma_start3A_396 = tpu.memref_slice %arg3[%dma_start3A_394, %dma_start3A_395] : memref<32000x2048xf32, #tpu.memory_space<hbm>> -> memref<32000x2048xf32, #tpu.memory_space<hbm>>
    tpu.enqueue_indirect_dma source(%dma_start3A_396 : memref<32000x2048xf32, #tpu.memory_space<hbm>>) target(%arg6 : memref<16x2048xf32, #tpu.memory_space<vmem>>) offsets(%dma_start3A_393 : memref<16xi32, #tpu.memory_space<vmem>>) semaphore(%arg9 : memref<!tpu.dma_semaphore, #tpu.memory_space<semaphore_mem>>)
    %dma_wait3A_397 = arith.constant 224 : i32
    %dma_wait3A_398 = tpu.memref_slice %arg5[%dma_wait3A_397] : memref<256xi32, #tpu.memory_space<vmem>> -> memref<16xi32, #tpu.memory_space<vmem>>
    %dma_wait3A_399 = arith.constant 0 : i32
    %dma_wait3A_400 = arith.constant 0 : i32
    %dma_wait3A_401 = tpu.memref_slice %arg3[%dma_wait3A_399, %dma_wait3A_400] : memref<32000x2048xf32, #tpu.memory_space<hbm>> -> memref<32000x2048xf32, #tpu.memory_space<hbm>>
    tpu.wait_indirect_dma semaphore(%arg11 : memref<!tpu.dma_semaphore, #tpu.memory_space<semaphore_mem>>) src(%dma_wait3A_401 : memref<32000x2048xf32, #tpu.memory_space<hbm>>) dst(%arg8 : memref<16x2048xf32, #tpu.memory_space<vmem>>)
    %add3A_402 = arith.constant 224 : i32
    %add3A_403 = arith.addi %mul3A_32, %add3A_402 : i32
    %dma_start3A_404 = arith.constant 0 : i32
    %dma_start3A_405 = tpu.memref_slice %arg4[%select_n3A, %add3A_403, %dma_start3A_404] : memref<4x2048x2048xf32, #tpu.memory_space<hbm>> -> memref<1x16x2048xf32, #tpu.memory_space<hbm>>
    %dma_start3A_406 = tpu.memref_squeeze %dma_start3A_405 : memref<1x16x2048xf32, #tpu.memory_space<hbm>> -> memref<16x2048xf32, #tpu.memory_space<hbm>>
    %dma_start3A_407 = arith.constant 0 : i32
    %dma_start3A_408 = tpu.memref_slice %arg4[%select_n3A, %add3A_403, %dma_start3A_407] : memref<4x2048x2048xf32, #tpu.memory_space<hbm>> -> memref<1x16x2048xf32, #tpu.memory_space<hbm>>
    %dma_start3A_409 = tpu.memref_squeeze %dma_start3A_408 : memref<1x16x2048xf32, #tpu.memory_space<hbm>> -> memref<16x2048xf32, #tpu.memory_space<hbm>>
    tpu.enqueue_dma source(%arg8 : memref<16x2048xf32, #tpu.memory_space<vmem>>) target(%dma_start3A_409 : memref<16x2048xf32, #tpu.memory_space<hbm>>) target_semaphore(%arg14 : memref<!tpu.dma_semaphore, #tpu.memory_space<semaphore_mem>>)
    %dma_wait3A_410 = arith.constant 240 : i32
    %dma_wait3A_411 = tpu.memref_slice %arg5[%dma_wait3A_410] : memref<256xi32, #tpu.memory_space<vmem>> -> memref<16xi32, #tpu.memory_space<vmem>>
    %dma_wait3A_412 = arith.constant 0 : i32
    %dma_wait3A_413 = arith.constant 0 : i32
    %dma_wait3A_414 = tpu.memref_slice %arg3[%dma_wait3A_412, %dma_wait3A_413] : memref<32000x2048xf32, #tpu.memory_space<hbm>> -> memref<32000x2048xf32, #tpu.memory_space<hbm>>
    tpu.wait_indirect_dma semaphore(%arg9 : memref<!tpu.dma_semaphore, #tpu.memory_space<semaphore_mem>>) src(%dma_wait3A_414 : memref<32000x2048xf32, #tpu.memory_space<hbm>>) dst(%arg6 : memref<16x2048xf32, #tpu.memory_space<vmem>>)
    %add3A_415 = arith.constant 240 : i32
    %add3A_416 = arith.addi %mul3A_32, %add3A_415 : i32
    %dma_start3A_417 = arith.constant 0 : i32
    %dma_start3A_418 = tpu.memref_slice %arg4[%select_n3A, %add3A_416, %dma_start3A_417] : memref<4x2048x2048xf32, #tpu.memory_space<hbm>> -> memref<1x16x2048xf32, #tpu.memory_space<hbm>>
    %dma_start3A_419 = tpu.memref_squeeze %dma_start3A_418 : memref<1x16x2048xf32, #tpu.memory_space<hbm>> -> memref<16x2048xf32, #tpu.memory_space<hbm>>
    %dma_start3A_420 = arith.constant 0 : i32
    %dma_start3A_421 = tpu.memref_slice %arg4[%select_n3A, %add3A_416, %dma_start3A_420] : memref<4x2048x2048xf32, #tpu.memory_space<hbm>> -> memref<1x16x2048xf32, #tpu.memory_space<hbm>>
    %dma_start3A_422 = tpu.memref_squeeze %dma_start3A_421 : memref<1x16x2048xf32, #tpu.memory_space<hbm>> -> memref<16x2048xf32, #tpu.memory_space<hbm>>
    tpu.enqueue_dma source(%arg6 : memref<16x2048xf32, #tpu.memory_space<vmem>>) target(%dma_start3A_422 : memref<16x2048xf32, #tpu.memory_space<hbm>>) target_semaphore(%arg12 : memref<!tpu.dma_semaphore, #tpu.memory_space<semaphore_mem>>)
    %add3A_423 = arith.constant 208 : i32
    %add3A_424 = arith.addi %mul3A_32, %add3A_423 : i32
    %dma_wait3A_425 = arith.constant 0 : i32
    %dma_wait3A_426 = tpu.memref_slice %arg4[%select_n3A, %add3A_424, %dma_wait3A_425] : memref<4x2048x2048xf32, #tpu.memory_space<hbm>> -> memref<1x16x2048xf32, #tpu.memory_space<hbm>>
    %dma_wait3A_427 = tpu.memref_squeeze %dma_wait3A_426 : memref<1x16x2048xf32, #tpu.memory_space<hbm>> -> memref<16x2048xf32, #tpu.memory_space<hbm>>
    %dma_wait3A_428 = arith.constant 0 : i32
    %dma_wait3A_429 = tpu.memref_slice %arg4[%select_n3A, %add3A_424, %dma_wait3A_428] : memref<4x2048x2048xf32, #tpu.memory_space<hbm>> -> memref<1x16x2048xf32, #tpu.memory_space<hbm>>
    %dma_wait3A_430 = tpu.memref_squeeze %dma_wait3A_429 : memref<1x16x2048xf32, #tpu.memory_space<hbm>> -> memref<16x2048xf32, #tpu.memory_space<hbm>>
    tpu.wait_dma2 semaphore(%arg13 : memref<!tpu.dma_semaphore, #tpu.memory_space<semaphore_mem>>) src(%arg7 : memref<16x2048xf32, #tpu.memory_space<vmem>>) dst(%dma_wait3A_430 : memref<16x2048xf32, #tpu.memory_space<hbm>>)
    %add3A_431 = arith.constant 224 : i32
    %add3A_432 = arith.addi %mul3A_32, %add3A_431 : i32
    %dma_wait3A_433 = arith.constant 0 : i32
    %dma_wait3A_434 = tpu.memref_slice %arg4[%select_n3A, %add3A_432, %dma_wait3A_433] : memref<4x2048x2048xf32, #tpu.memory_space<hbm>> -> memref<1x16x2048xf32, #tpu.memory_space<hbm>>
    %dma_wait3A_435 = tpu.memref_squeeze %dma_wait3A_434 : memref<1x16x2048xf32, #tpu.memory_space<hbm>> -> memref<16x2048xf32, #tpu.memory_space<hbm>>
    %dma_wait3A_436 = arith.constant 0 : i32
    %dma_wait3A_437 = tpu.memref_slice %arg4[%select_n3A, %add3A_432, %dma_wait3A_436] : memref<4x2048x2048xf32, #tpu.memory_space<hbm>> -> memref<1x16x2048xf32, #tpu.memory_space<hbm>>
    %dma_wait3A_438 = tpu.memref_squeeze %dma_wait3A_437 : memref<1x16x2048xf32, #tpu.memory_space<hbm>> -> memref<16x2048xf32, #tpu.memory_space<hbm>>
    tpu.wait_dma2 semaphore(%arg14 : memref<!tpu.dma_semaphore, #tpu.memory_space<semaphore_mem>>) src(%arg8 : memref<16x2048xf32, #tpu.memory_space<vmem>>) dst(%dma_wait3A_438 : memref<16x2048xf32, #tpu.memory_space<hbm>>)
    %add3A_439 = arith.constant 240 : i32
    %add3A_440 = arith.addi %mul3A_32, %add3A_439 : i32
    %dma_wait3A_441 = arith.constant 0 : i32
    %dma_wait3A_442 = tpu.memref_slice %arg4[%select_n3A, %add3A_440, %dma_wait3A_441] : memref<4x2048x2048xf32, #tpu.memory_space<hbm>> -> memref<1x16x2048xf32, #tpu.memory_space<hbm>>
    %dma_wait3A_443 = tpu.memref_squeeze %dma_wait3A_442 : memref<1x16x2048xf32, #tpu.memory_space<hbm>> -> memref<16x2048xf32, #tpu.memory_space<hbm>>
    %dma_wait3A_444 = arith.constant 0 : i32
    %dma_wait3A_445 = tpu.memref_slice %arg4[%select_n3A, %add3A_440, %dma_wait3A_444] : memref<4x2048x2048xf32, #tpu.memory_space<hbm>> -> memref<1x16x2048xf32, #tpu.memory_space<hbm>>
    %dma_wait3A_446 = tpu.memref_squeeze %dma_wait3A_445 : memref<1x16x2048xf32, #tpu.memory_space<hbm>> -> memref<16x2048xf32, #tpu.memory_space<hbm>>
    tpu.wait_dma2 semaphore(%arg12 : memref<!tpu.dma_semaphore, #tpu.memory_space<semaphore_mem>>) src(%arg6 : memref<16x2048xf32, #tpu.memory_space<vmem>>) dst(%dma_wait3A_446 : memref<16x2048xf32, #tpu.memory_space<hbm>>)
    return
  }
}

module attributes {stable_mosaic.version = 14 : i64} {
  func.func @_mask_body(%arg0: i32, %arg1: i32, %arg2: memref<1x1x512x2048xf32, #tpu.memory_space<vmem>>, %arg3: memref<1x2048xi32, #tpu.memory_space<vmem>>, %arg4: memref<512x2048xf32, #tpu.memory_space<vmem>>) attributes {dimension_semantics = [#tpu.dimension_semantics<arbitrary>, #tpu.dimension_semantics<arbitrary>], iteration_bounds = array<i64: 4, 4>, scalar_prefetch = 0 : i64, scratch_operands = 1 : i64, tpu.core_type = #tpu.core_type<tc>, window_params = [{transform_indices = @transform_0, window_bounds = array<i64: 1, 1, 512, 2048>}, {pipeline_mode = #tpu.pipeline_mode<synchronous>, transform_indices = @transform_1, window_bounds = array<i64: 1, 2048>}]} {
    %eq3A = arith.constant 0 : i32
    %eq3A_0 = arith.cmpi eq, %arg1, %eq3A : i32
    %convert_element_type3A = arith.extui %eq3A_0 : i1 to i32
    %cond3A = arith.constant 0 : i32
    %cond3A_1 = arith.cmpi ne, %convert_element_type3A, %cond3A : i32
    scf.if %cond3A_1 {
      %mul3A = arith.constant 512 : i32
      %mul3A_17 = arith.muli %arg0, %mul3A : i32
      %iota3A = tpu.iota {dimensions = array<i32: 0>} : vector<512x2048xi32>
      %add3A = vector.broadcast %mul3A_17 : i32 to vector<512x2048xi32>
      %add3A_18 = arith.addi %add3A, %iota3A : vector<512x2048xi32>
      %iota3A_19 = tpu.iota {dimensions = array<i32: 1>} : vector<512x2048xi32>
      %le3A = arith.cmpi sle, %iota3A_19, %add3A_18 : vector<512x2048xi32>
      %jit3A = arith.constant 0.000000e+00 : f32
      %jit3A_20 = arith.constant -3.40282347E+38 : f32
      %broadcast_in_dim3A = vector.broadcast %jit3A : f32 to vector<512x2048xf32>
      %broadcast_in_dim3A_21 = vector.broadcast %jit3A_20 : f32 to vector<512x2048xf32>
      %select_n3A = arith.select %le3A, %broadcast_in_dim3A, %broadcast_in_dim3A_21 : vector<512x2048xi1>, vector<512x2048xf32>
      %swap3A_22 = arith.constant 0 : index
      %swap3A_23 = arith.constant 0 : index
      %swap3A_24 = vector.load %arg4[%swap3A_22, %swap3A_23] : memref<512x2048xf32, #tpu.memory_space<vmem>>, vector<512x2048xf32>
      tpu.vector_store %arg4[%swap3A_22, %swap3A_23], %select_n3A {strides = array<i32>} : memref<512x2048xf32, #tpu.memory_space<vmem>>, vector<512x2048xf32>,
    } else {
    }
    %get3A = arith.constant 0 : index
    %get3A_2 = arith.constant 0 : index
    %get3A_3 = vector.load %arg4[%get3A, %get3A_2] : memref<512x2048xf32, #tpu.memory_space<vmem>>, vector<512x2048xf32>
    %swap3A = arith.constant 0 : index
    %swap3A_4 = arith.constant 0 : index
    %swap3A_5 = arith.constant 0 : index
    %swap3A_6 = arith.constant 0 : index
    %swap3A_7 = vector.load %arg2[%swap3A, %swap3A_4, %swap3A_5, %swap3A_6] : memref<1x1x512x2048xf32, #tpu.memory_space<vmem>>, vector<1x1x512x2048xf32>
    %swap3A_8 = vector.shape_cast %swap3A_7 : vector<1x1x512x2048xf32> to vector<512x2048xf32>
    %swap3A_9 = vector.shape_cast %get3A_3 : vector<512x2048xf32> to vector<1x1x512x2048xf32>
    tpu.vector_store %arg2[%swap3A, %swap3A_4, %swap3A_5, %swap3A_6], %swap3A_9 {strides = array<i32>} : memref<1x1x512x2048xf32, #tpu.memory_space<vmem>>, vector<1x1x512x2048xf32>,
    %eq3A_10 = arith.constant 0 : i32
    %eq3A_11 = arith.cmpi eq, %arg0, %eq3A_10 : i32
    %eq3A_12 = arith.constant 0 : i32
    %eq3A_13 = arith.cmpi eq, %arg1, %eq3A_12 : i32
    %and3A = arith.andi %eq3A_11, %eq3A_13 : i1
    %convert_element_type3A_14 = arith.extui %and3A : i1 to i32
    %cond3A_15 = arith.constant 0 : i32
    %cond3A_16 = arith.cmpi ne, %convert_element_type3A_14, %cond3A_15 : i32
    scf.if %cond3A_16 {
      %iota3A = tpu.iota {dimensions = array<i32: 1>} : vector<1x2048xi32>
      %swap3A_17 = arith.constant 0 : index
      %swap3A_18 = arith.constant 0 : index
      %swap3A_19 = vector.load %arg3[%swap3A_17, %swap3A_18] : memref<1x2048xi32, #tpu.memory_space<vmem>>, vector<1x2048xi32>
      tpu.vector_store %arg3[%swap3A_17, %swap3A_18], %iota3A {strides = array<i32>} : memref<1x2048xi32, #tpu.memory_space<vmem>>, vector<1x2048xi32>,
    } else {
    }
    return
  }
  func.func @transform_0(%arg0: i32, %arg1: i32) -> (i32, i32, i32, i32) {
    %c0_i32 = arith.constant 0 : i32
    %c0_i32_0 = arith.constant 0 : i32
    %c0_i32_1 = arith.constant 0 : i32
    return %arg1, %c0_i32, %arg0, %c0_i32_0 : i32, i32, i32, i32
  }
  func.func @transform_1(%arg0: i32, %arg1: i32) -> (i32, i32) {
    %c0_i32 = arith.constant 0 : i32
    %c0_i32_0 = arith.constant 0 : i32
    %c0_i32_1 = arith.constant 0 : i32
    return %c0_i32, %c0_i32_0 : i32, i32
  }
}

</mosaic_0001>

<sc_bundles>
// kernel: kernel.4.cloned.1.call-start
scs
__scs_entry_jumppad:
0x0: {  	(pc) =	sbr.rel $0x88, $3  }
0x1: {  	(tag) =	ssettag $0x0;
	lr =	simm.s32 $0x1  }
0x2: {  	[smem:$0x3F9F] =	sst lr;
	_ =	strace $0xD0000000  }
0x3: {  	_ = 	snop  }
0x4: {  	_ = 	snop  }
0x5: {  	_ = 	snop  }
0x6: {  	_ = 	snop  }
0x7: {  	_ = 	snop  }
__scs_overlays_trampoline_lowered:
0x8: {  	[smem:$0x3FAE] =	sst s0  }
0x9: {  	[smem:$0x3FAF] =	sst s1  }
0xa: {  	[smem:$0x3FB0] =	sst s2  }
0xb: {  	[smem:$0x3FB1] =	sst s3  }
0xc: {  	[smem:$0x3FB2] =	sst s4  }
0xd: {  	[smem:$0x3FB3] =	sst s5  }
0xe: {  	[smem:$0x3FB4] =	sst s6  }
0xf: {  	[smem:$0x3FB5] =	sst s7  }
0x10: {  	[smem:$0x3FB6] =	sst s8  }
0x11: {  	[smem:$0x3FB7] =	sst s9;
	s0 =	simm.s32 @!p0 $0x0  }
0x12: {  	s1 =	sld [smem:$0x3F9D];
	s0 =	simm.s32 @p0 $0x1  }
0x13: {  	[smem:$0x3FB8] =	sst s0;
	s0 =	simm.s32 @!p1 $0x0  }
0x14: {  	s2 =	sld [smem:$0x3F9C];
	s0 =	simm.s32 @p1 $0x1  }
0x15: {  	[smem:$0x3FB9] =	sst s0;
	s0 =	simm.s32 @!p2 $0x0  }
0x16: {  	s3 =	sld [smem:$0x3FDB];
	s0 =	simm.s32 @p2 $0x1  }
0x17: {  	s4 =	simm.s32 $0x1BF5;
	[smem:$0x3FBB] =	sst s0  }
0x18: {  	s0 =	sld [smem:$0x3F9E];
	_ =	swait.ge [sflag:s4], $0x0  }
0x19: {  	s7 =	sld [smem:$0x3F9F]  }
0x1a: {  	s8 =	sadd.s32 $0xFFFFE003, lr  }
0x1b: {  	s9 =	sadd.s32 $0xFFFFFEF7, lr;
	s5 =	simm.s32 $0xFFFFFFFF;
	p2 =	slt.u32 s8, $0xFFFFF086  }
0x1c: {  	p1 =	slt.u32 s9, $0xF7A;
	s5 =	simm.s32 @!p2 $0x0  }
0x1d: {  	s5 =	simm.s32 @p1 $0x1;
	p0 =	seq.s32 s7, s2  }
0x1e: {  	s7 =	smul.u32 @!p0 $0xF7A, s2;
	p2 =	seq.s32 @!p0 s5, $0x0  }
0x1f: {  	s9 =	smul.u32 $0xF7A, s1;
	s8 =	simm.s32 @!p0 $0x1BF5;
	p2 =	por !p2, p0  }
0x20: {  	[sflag:s8] =	ssyncset.s32 @!p0 $0xFFFFF086;
	s6 =	sadd.s32 @!p0 s3, s7;
	s7 =	simm.s32 @!p0 $0x108  }
0x21: {  	s3 =	sadd.s32 s3, s9;
	s6 =	sadd.s32 @!p0 $0x88, s6;
	s7 =	simm.s32 @p2 $0x1082  }
0x22: {  	[simem:s7], [sflag:s8] =	dma.local @!p0 [hbm:s6], $0xF7A  }
0x23: {  	s9 =	sor.u32 $0xD0000000, s2;
	s6 =	simm.s32 $0x108;
	_ =	swait.ge @!p0 [sflag:s8], $0x0  }
0x24: {  	s3 =	sadd.s32 $0x88, s3;
	s6 =	simm.s32 @!p1 $0x1082;
	[sflag:s4] =	ssyncset.s32 $0xFFFFF086  }
0x25: {  	[simem:s6], [sflag:s4] =	dma.local [hbm:s3], $0xF7A  }
0x26: {  	[smem:$0x3F9F] =	sst s1;
	(tag) =	ssettag s2;
	_ =	strace s9  }
0x27: {  	s1 =	sld [smem:$0x3FAF]  }
0x28: {  	s2 =	sld [smem:$0x3FB0]  }
0x29: {  	s4 =	sld [smem:$0x3FB2]  }
0x2a: {  	p0 =	seq.s32 s5, $0x0;
	s5 =	sld [smem:$0x3FB3]  }
0x2b: {  	s6 =	sld [smem:$0x3FB4]  }
0x2c: {  	s7 =	sld [smem:$0x3FB5]  }
0x2d: {  	s3 =	simm.s32 $0x108;
	s8 =	sld [smem:$0x3FB6]  }
0x2e: {  	s3 =	simm.s32 @!p0 $0x1082;
	s9 =	sld [smem:$0x3FB7]  }
0x2f: {  	lr =	sadd.s32 s0, s3;
	s0 =	sld [smem:$0x3FAE]  }
0x30: {  	s3 =	sld [smem:$0x3FB1]  }
0x31: {  	[smem:$0x3FBA] =	sst s10  }
0x32: {  	s10 =	sld [smem:$0x3FB8];
	_ =	sdelay $0x3  }
0x33: {  	p0 =	seq.s32 s10, $0x1;
	s10 =	sld [smem:$0x3FBA];
	_ =	sdelay $0x3  }
0x34: {  	[smem:$0x3FBA] =	sst s10  }
0x35: {  	s10 =	sld [smem:$0x3FB9];
	_ =	sdelay $0x3  }
0x36: {  	p1 =	seq.s32 s10, $0x1;
	s10 =	sld [smem:$0x3FBA];
	_ =	sdelay $0x3  }
0x37: {  	[smem:$0x3FBA] =	sst s10  }
0x38: {  	s10 =	sld [smem:$0x3FBB]  }
0x39: {  	_ = 	snop;
	(pc) =	sbr.ind lr, $3  }
0x3a: {  	_ = 	snop  }
0x3b: {  	_ = 	snop  }
0x3c: {  	p2 =	seq.s32 s10, $0x1;
	s10 =	sld [smem:$0x3FBA]  }
0x3d: {  	_ =	shalt  }
0x3e: {  	_ =	shalt  }
0x3f: {  	_ =	shalt  }
0x40: {  	_ =	shalt  }
0x41: {  	_ =	shalt  }
0x42: {  	_ =	shalt  }
0x43: {  	_ =	shalt  }
0x44: {  	_ =	shalt  }
0x45: {  	_ =	shalt  }
0x46: {  	_ =	shalt  }
0x47: {  	_ =	shalt  }
0x48: {  	_ =	shalt  }
0x49: {  	_ =	shalt  }
0x4a: {  	_ =	shalt  }
0x4b: {  	_ =	shalt  }
0x4c: {  	_ =	shalt  }
0x4d: {  	_ =	shalt  }
0x4e: {  	_ =	shalt  }
0x4f: {  	_ =	shalt  }
0x50: {  	_ =	shalt  }
0x51: {  	_ =	shalt  }
0x52: {  	_ =	shalt  }
0x53: {  	_ =	shalt  }
0x54: {  	_ =	shalt  }
0x55: {  	_ =	shalt  }
0x56: {  	_ =	shalt  }
0x57: {  	_ =	shalt  }
0x58: {  	_ =	shalt  }
0x59: {  	_ =	shalt  }
0x5a: {  	_ =	shalt  }
0x5b: {  	_ =	shalt  }
0x5c: {  	_ =	shalt  }
0x5d: {  	_ =	shalt  }
0x5e: {  	_ =	shalt  }
0x5f: {  	_ =	shalt  }
0x60: {  	_ =	shalt  }
0x61: {  	_ =	shalt  }
0x62: {  	_ =	shalt  }
0x63: {  	_ =	shalt  }
0x64: {  	_ =	shalt  }
0x65: {  	_ =	shalt  }
0x66: {  	_ =	shalt  }
0x67: {  	_ =	shalt  }
0x68: {  	_ =	shalt  }
0x69: {  	_ =	shalt  }
0x6a: {  	_ =	shalt  }
0x6b: {  	_ =	shalt  }
0x6c: {  	_ =	shalt  }
0x6d: {  	_ =	shalt  }
0x6e: {  	_ =	shalt  }
0x6f: {  	_ =	shalt  }
0x70: {  	_ =	shalt  }
0x71: {  	_ =	shalt  }
0x72: {  	_ =	shalt  }
0x73: {  	_ =	shalt  }
0x74: {  	_ =	shalt  }
0x75: {  	_ =	shalt  }
0x76: {  	_ =	shalt  }
0x77: {  	_ =	shalt  }
0x78: {  	_ =	shalt  }
0x79: {  	_ =	shalt  }
0x7a: {  	_ =	shalt  }
0x7b: {  	_ =	shalt  }
0x7c: {  	_ =	shalt  }
0x7d: {  	_ =	shalt  }
0x7e: {  	_ =	shalt  }
0x7f: {  	_ =	shalt  }
0x80: {  	_ =	shalt  }
0x81: {  	_ =	shalt  }
0x82: {  	_ =	shalt  }
0x83: {  	_ =	shalt  }
0x84: {  	_ =	shalt  }
0x85: {  	_ =	shalt  }
0x86: {  	_ =	shalt  }
0x87: {  	_ =	shalt  }
.Lfunc_end0:
.L_simem_size_0:
called_computation_lowered:
.L_overlay_start_0:
0x88: {  	s2 =	sld [smem:$0x3FD9]  }
0x89: {  	s3 =	sld [smem:$0x3FFE];
	_ =	sdelay $0x1  }
0x8a: {  	s1 =	srdreg.scid  }
0x8b: {  	s0 =	sand.u32 $0x1, s1  }
0x8c: {  	s15 =	sshll.u32 s0, $0xA;
	s2 =	sadd.s32 s3, s2  }
0x8d: {  	s2 =	sadd.s32 s2, s15  }
0x8e: {  	[smem:$0x3FC6] =	sst s2  }
0x8f: {  	_ = 	snop  }
0x90: {  	s2 =	sld [smem:$0x3FD0];
	_ =	sdelay $0x1  }
0x91: {  	s16 =	sld [smem:$0x3FC9]  }
0x92: {  	s5 =	simm.s32 $0xA;
	s6 =	simm.s32 $0x10;
	s4 =	sld [smem:$0x3FC8]  }
0x93: {  	[smem:s6], [sflag:s5] =	dma.local [hbm:s2], $0x1  }
0x94: {  	_ =	swait.eq [sflag:s5], $0x1  }
0x95: {  	[sflag:s5] =	ssyncset.done $0x0  }
0x96: {  	[sflag:s5] =	ssyncadd.s32 $0xFFFFFFFF  }
0x97: {  	s17 =	sld [smem:$0x10];
	(tm) =	ssettm $0x1  }
0x98: {  	s18 =	sld [smem:$0x3FFB];
	_ =	sdelay $0x3  }
0x99: {  	_ =	strace s18  }
0x9a: {  	s5 =	sld [smem:$0x3FFC];
	_ =	sdelay $0x3  }
0x9b: {  	_ =	strace s5  }
0x9c: {  	s5 =	sld [smem:$0x3FFD];
	_ =	sdelay $0x3  }
0x9d: {  	_ =	strace s5  }
0x9e: {  	_ =	strace $0x8FFFFFFF  }
0x9f: {  	s19 =	sld [smem:$0x3FDB];
	_ =	sdelay $0x1  }
0xa0: {  	s20 =	simm.s32 $_scs_section_size  }
0xa1: {  	s7 =	simm.s32 $_size__tile_overlayer_lowered;
	s8 =	simm.s32 $_tile_overlayer_lowered  }
0xa2: {  	s23 =	simm.s32 $0x1BFF;
	s22 =	sshll.u32 s8, $0x1;
	s5 =	sadd.s32 s20, s19  }
0xa3: {  	s9 =	simm.s32 $0x0;
	s21 =	sshll.u32 s7, $0x1;
	s7 =	sadd.s32 s22, s5  }
0xa4: {  	[timem:s9], [sflag:s23] =	dma.local [hbm:s7], s21  }
0xa5: {  	_ =	swait.ge [sflag:s23], s21  }
0xa6: {  	s6 =	ssub.s32 $0x0, s21;
	[sflag:s23] =	ssyncset.done $0x0  }
0xa7: {  	[sflag:s23] =	ssyncadd.s32 s6;
	_ =	sdelay $0x1  }
0xa8: {  	s24 =	simm.s32 $0x1B8B  }
0xa9: {  	_ =	swait.ge [sflag:s24], $0x1  }
0xaa: {  	[sflag:s24] =	ssyncset.done $0x0  }
0xab: {  	s25 =	simm.s32 $0x1B8E;
	[sflag:s24] =	ssyncadd.s32 $0xFFFFFFFF  }
0xac: {  	s26 =	simm.s32 $execute0_lowered;
	[smem:$0x3FD2] =	sst s25  }
0xad: {  	s6 =	sshll.u32 s26, $0x1;
	_ =	strace $0x80000046;
	[dreg:$0x1] =	wrdreg $0xFFFFFFFF  }
0xae: {  	s28 =	simm.s32 $_size_execute0_lowered;
	s5 =	sadd.s32 s5, s6;
	[dreg:$0x0] =	wrdreg $0x0  }
0xaf: {  	s6 =	sshll.u32 s28, $0x1;
	[dreg:$0x2] =	wrdreg s5  }
0xb0: {  	[dreg:$0x3] =	wrdreg s6  }
0xb1: {  	[dreg:$0x4] =	wrdreg $0xC0  }
0xb2: {  	_ =	task [dreg:s9], $0x5FFFF  }
0xb3: {  	[dreg:$0x1] =	wrdreg $0xFFFFFFFF  }
0xb4: {  	[dreg:$0x0] =	wrdreg $0x60  }
0xb5: {  	[dreg:$0x2] =	wrdreg s16  }
0xb6: {  	[dreg:$0x3] =	wrdreg s4  }
0xb7: {  	[dreg:$0x4] =	wrdreg s17  }
0xb8: {  	[dreg:$0x5] =	wrdreg $0x9  }
0xb9: {  	_ =	task.clear_ibuf [dreg:s9], $0x6FFFF;
	_ =	strace $0x90000046  }
0xba: {  	s29 =	simm.s32 $0x9;
	_ =	strace $0x80000048  }
0xbb: {  	_ =	swait.ge [sflag:s29], $0x1  }
0xbc: {  	[sflag:s29] =	ssyncadd.s32 $0xFFFFFFFF  }
0xbd: {  	_ =	strace $0x90000048  }
0xbe: {  	_ =	sfence  }
0xbf: {  	s30 =	sld [smem:$0x0];
	_ =	sdelay $0x2  }
0xc0: {  	s31 =	sshll.u32 s1, $0xD;
	s1 =	sshrl.u32 s1, $0x2  }
0xc1: {  	s3 =	sand.u32 $0x4000, s31;
	s1 =	sadd.s32 s1, s30  }
0xc2: {  	s0 =	sor.u32 s3, s0;
	s1 =	sshll.u32 s1, $0x11  }
0xc3: {  	s0 =	sor.u32 s1, s0  }
0xc4: {  	s0 =	sadd.s32 $0x8F2B, s0  }
0xc5: {  	[sflag:s0] =	ssyncadd.remote.s32 $0x1  }
0xc6: {  	_ =	sfence.sel $0xFFFF  }
0xc7: {  	[dreg:$0x0] =	wrdreg $0xFFFFFFFF;
	(pc) =	sbr.abs _section_cstart, $3  }
0xc8: {  	[dreg:$0x1] =	wrdreg $0xFFFFFFFF  }
0xc9: {  	_ =	task.clear_ibuf [dreg:s9], $0x2FFFF;
	_ =	strace $0x9FFFFFFF  }
0xca: {  	(tm) =	ssettm $0x7FFFFFFF  }
0xcb: {  	_ =	shalt  }
tec
execute0_lowered:
.L_overlay_start_1:
0x0: {  	(tag) =	ssettag $0x1  }
0x1: {  	s0 =	rddreg [dreg:$0x0]  }
0x2: {  	s2 =	rddreg [dreg:$0x1]  }
0x3: {  	s1 =	rddreg [dreg:$0x2]  }
0x4: {  	s6 =	stileid.u32;
	s4 =	srdreg.scid;
	s3 =	simm.s32 $0x0  }
0x5: {  	s30 =	simm.s32 $0x80;
	s31 =	simm.s32 $0x200;
	s5 =	sshll.u32 s6, $0x1  }
0x6: {  	s4 =	sand.u32 $0x1, s4;
	[smem:$0x7FF] =	sst s3;
	s6 =	sshrl.u32 s6, $0x2  }
0x7: {  	s5 =	sand.u32 $0x6, s5;
	s8 =	sshll.u32 s6, $0x4;
	s6 =	sshll.u32 s6, $0x13  }
0x8: {  	_ =	strace $0x80000047;
	[dreg:$0x14] =	wrdreg s30;
	s5 =	sor.u32 s4, s5  }
0x9: {  	s0 =	sadd.s32 s0, s8;
	s7 =	sshll.u32 s5, $0x10;
	s5 =	sshll.u32 s5, $0x7  }
0xa: {  	[dreg:$0x15] =	wrdreg s31;
	s6 =	sor.u32 s6, s7;
	s0 =	sadd.s32 s5, s0  }
0xb: {  	s10 =	sadd.s32 s1, s6;
	[dreg:$0x4] =	wrdreg s0  }
0xc: {  	s13 =	sadd.s32 $0x1000, s10;
	[dreg:$0x16] =	wrdreg s10  }
0xd: {  	s14 =	sadd.s32 $0x2000, s10;
	[dreg:$0x5] =	wrdreg s13  }
0xe: {  	s15 =	sadd.s32 $0x3000, s10;
	[dreg:$0x6] =	wrdreg s14  }
0xf: {  	s9 =	sadd.s32 $0x500, s2;
	s16 =	sadd.s32 $0x4000, s10;
	[dreg:$0x7] =	wrdreg s15  }
0x10: {  	s11 =	sadd.s32 $0x700, s2;
	s17 =	sadd.s32 $0x5000, s10;
	[dreg:$0x8] =	wrdreg s16  }
0x11: {  	s20 =	ssub.s32 $0x2, s4;
	s18 =	sadd.s32 $0x6000, s10;
	[dreg:$0x9] =	wrdreg s17  }
0x12: {  	s4 =	sshrl.u32 s20, $0x1;
	s19 =	sadd.s32 $0x7000, s10;
	[dreg:$0xa] =	wrdreg s18  }
0x13: {  	s8 =	sadd.s32 $0x400, s2;
	s21 =	sadd.s32 $0x8000, s10;
	[dreg:$0xb] =	wrdreg s19  }
0x14: {  	s5 =	sadd.s32 $0x100, s2;
	s22 =	sadd.s32 $0x9000, s10;
	[dreg:$0xc] =	wrdreg s21  }
0x15: {  	s7 =	sadd.s32 $0x300, s2;
	s23 =	sadd.s32 $0xA000, s10;
	[dreg:$0xd] =	wrdreg s22  }
0x16: {  	s1 =	ssub.s32 s20, s4;
	s24 =	sadd.s32 $0xB000, s10;
	[dreg:$0xe] =	wrdreg s23  }
0x17: {  	s6 =	sadd.s32 $0x200, s2;
	s25 =	sadd.s32 $0xC000, s10;
	[dreg:$0xf] =	wrdreg s24  }
0x18: {  	s0 =	simm.s32 $0x1;
	s26 =	sadd.s32 $0xD000, s10;
	[dreg:$0x10] =	wrdreg s25  }
0x19: {  	s4 =	simm.s32 $0x4;
	s28 =	sadd.s32 $0xE000, s10;
	[dreg:$0x11] =	wrdreg s26  }
0x1a: {  	v2 =	vlaneseq.u32;
	s29 =	sadd.s32 $0xF000, s10;
	s10 =	sadd.s32 $0x600, s2;
	[dreg:$0x12] =	wrdreg s28  }
0x1b: {  	vm0 =	vmmov $0xffff;
	v1 =	vshrl.u32 v2, $0x3;
	s12 =	smax.u32 s1, $0x1;
	[dreg:$0x13] =	wrdreg s29;
	s13 =	simm.s32 $0x2  }
0x1c: {  	v0 =	vand.u32 $0x7, v2;
	v2 =	vor.u32 $0x8, v2;
	v1 =	vmul.u32 $0x8, v1;
	s15 =	simm.s32 $0x3;
	s16 =	simm.s32 $0x5;
	s17 =	simm.s32 $0x6  }
.LBB2_1:
0x1d: {  	[dreg:$0x17] =	wrdreg s12  }
0x1e: {  	s18 =	rddreg [dreg:$0x4]  }
0x1f: {  	s19 =	rddreg [dreg:$0x14]  }
0x20: {  	s20 =	rddreg [dreg:$0x15];
	s30 =	simm.s32 $0x7  }
0x21: {  	[tilespmem:s3], [sflag:$0x7] =	stream.strided.gather [hbm4b:s18+s19], $0x100, s20, s19, $0x38;
	[tilespmem:$0x18100] =	vst v63  }
0x22: {  	_ =	swait.ge [sflag:s30], $0x100  }
0x23: {  	[sflag:s30] =	ssyncset.done $0x0  }
0x24: {  	[sflag:s30] =	ssyncadd.s32 $0xFFFFFF00  }
0x25: {  	v3 =	vld [tilespmem:$0x0];
	_ =	sdelay $0x4  }
0x26: {  	v4 =	vshll.u32 v3, $0x4  }
0x27: {  	v3 =	vand.u32 $0x7, v3;
	v4 =	vand.u32 $0xFFFFFF80, v4  }
0x28: {  	v3 =	vor.u32 v3, v4  }
0x29: {  	v4 =	vperm.xlane v3, v0;
	_ =	sdelay $0x1  }
0x2a: {  	v4 =	vadd.s32 v1, v4;
	_ =	sdelay $0x3  }
0x2b: {  	s20 =	simm.s32 $0x100  }
0x2c: {  	[tilespmem:s20], [sflag:$0x1] =	stream.indirect_vreg.gather [hbm4b:s2+s3], $0x80, v4, vm0, $0xb8;
	[tilespmem:$0x18100] =	vst v63  }
0x2d: {  	s31 =	simm.s32 $0x900  }
0x2e: {  	[tilespmem:s31], [sflag:$0x1] =	stream.indirect_vreg.gather [hbm4b:s5+s3], $0x80, v4, vm0, $0xb8;
	[tilespmem:$0x18100] =	vst v63  }
0x2f: {  	s1 =	simm.s32 $0x1100  }
0x30: {  	[tilespmem:s1], [sflag:$0x1] =	stream.indirect_vreg.gather [hbm4b:s6+s3], $0x80, v4, vm0, $0xb8;
	[tilespmem:$0x18100] =	vst v63  }
0x31: {  	s12 =	simm.s32 $0x1900  }
0x32: {  	[tilespmem:s12], [sflag:$0x1] =	stream.indirect_vreg.gather [hbm4b:s7+s3], $0x80, v4, vm0, $0xb8;
	[tilespmem:$0x18100] =	vst v63  }
0x33: {  	s14 =	simm.s32 $0x2100  }
0x34: {  	[tilespmem:s14], [sflag:$0x1] =	stream.indirect_vreg.gather [hbm4b:s8+s3], $0x80, v4, vm0, $0xb8;
	[tilespmem:$0x18100] =	vst v63  }
0x35: {  	s19 =	simm.s32 $0x2900;
	v3 =	vperm.xlane v3, v2  }
0x36: {  	[tilespmem:s19], [sflag:$0x1] =	stream.indirect_vreg.gather [hbm4b:s9+s3], $0x80, v4, vm0, $0xb8;
	[tilespmem:$0x18100] =	vst v63  }
0x37: {  	s21 =	simm.s32 $0x3100;
	v3 =	vadd.s32 v1, v3  }
0x38: {  	[tilespmem:s21], [sflag:$0x1] =	stream.indirect_vreg.gather [hbm4b:s10+s3], $0x80, v4, vm0, $0xb8;
	[tilespmem:$0x18100] =	vst v63  }
0x39: {  	s23 =	simm.s32 $0x3900  }
0x3a: {  	[tilespmem:s23], [sflag:$0x1] =	stream.indirect_vreg.gather [hbm4b:s11+s3], $0x80, v4, vm0, $0xb8;
	[tilespmem:$0x18100] =	vst v63  }
0x3b: {  	s24 =	simm.s32 $0x4100  }
0x3c: {  	[tilespmem:s24], [sflag:$0x1] =	stream.indirect_vreg.gather [hbm4b:s2+s3], $0x80, v3, vm0, $0xb8;
	[tilespmem:$0x18100] =	vst v63  }
0x3d: {  	s25 =	simm.s32 $0x4900  }
0x3e: {  	[tilespmem:s25], [sflag:$0x1] =	stream.indirect_vreg.gather [hbm4b:s5+s3], $0x80, v3, vm0, $0xb8;
	[tilespmem:$0x18100] =	vst v63  }
0x3f: {  	s26 =	simm.s32 $0x5100  }
0x40: {  	[tilespmem:s26], [sflag:$0x1] =	stream.indirect_vreg.gather [hbm4b:s6+s3], $0x80, v3, vm0, $0xb8;
	[tilespmem:$0x18100] =	vst v63  }
0x41: {  	s28 =	simm.s32 $0x5900  }
0x42: {  	[tilespmem:s28], [sflag:$0x1] =	stream.indirect_vreg.gather [hbm4b:s7+s3], $0x80, v3, vm0, $0xb8;
	[tilespmem:$0x18100] =	vst v63  }
0x43: {  	s29 =	simm.s32 $0x6100  }
0x44: {  	[tilespmem:s29], [sflag:$0x1] =	stream.indirect_vreg.gather [hbm4b:s8+s3], $0x80, v3, vm0, $0xb8;
	[tilespmem:$0x18100] =	vst v63  }
0x45: {  	s31 =	simm.s32 $0x6900  }
0x46: {  	[tilespmem:s31], [sflag:$0x1] =	stream.indirect_vreg.gather [hbm4b:s9+s3], $0x80, v3, vm0, $0xb8;
	[tilespmem:$0x18100] =	vst v63  }
0x47: {  	s12 =	simm.s32 $0x7100  }
0x48: {  	[tilespmem:s12], [sflag:$0x1] =	stream.indirect_vreg.gather [hbm4b:s10+s3], $0x80, v3, vm0, $0xb8;
	[tilespmem:$0x18100] =	vst v63  }
0x49: {  	s14 =	simm.s32 $0x7900  }
0x4a: {  	[tilespmem:s14], [sflag:$0x1] =	stream.indirect_vreg.gather [hbm4b:s11+s3], $0x80, v3, vm0, $0xb8;
	[tilespmem:$0x18100] =	vst v63  }
0x4b: {  	v3 =	vld [tilespmem:$0x10];
	_ =	sdelay $0x4  }
0x4c: {  	v49 =	vshll.u32 v3, $0x4  }
0x4d: {  	v3 =	vand.u32 $0x7, v3;
	v4 =	vand.u32 $0xFFFFFF80, v49  }
0x4e: {  	v3 =	vor.u32 v3, v4  }
0x4f: {  	v4 =	vperm.xlane v3, v0;
	_ =	sdelay $0x1  }
0x50: {  	v4 =	vadd.s32 v1, v4;
	_ =	sdelay $0x3  }
0x51: {  	s14 =	simm.s32 $0x8100  }
0x52: {  	[tilespmem:s14], [sflag:$0x2] =	stream.indirect_vreg.gather [hbm4b:s2+s3], $0x80, v4, vm0, $0xb8;
	[tilespmem:$0x18100] =	vst v63  }
0x53: {  	s19 =	simm.s32 $0x8900  }
0x54: {  	[tilespmem:s19], [sflag:$0x2] =	stream.indirect_vreg.gather [hbm4b:s5+s3], $0x80, v4, vm0, $0xb8;
	[tilespmem:$0x18100] =	vst v63  }
0x55: {  	s12 =	simm.s32 $0x9100  }
0x56: {  	[tilespmem:s12], [sflag:$0x2] =	stream.indirect_vreg.gather [hbm4b:s6+s3], $0x80, v4, vm0, $0xb8;
	[tilespmem:$0x18100] =	vst v63  }
0x57: {  	s18 =	simm.s32 $0x9900  }
0x58: {  	[tilespmem:s18], [sflag:$0x2] =	stream.indirect_vreg.gather [hbm4b:s7+s3], $0x80, v4, vm0, $0xb8;
	[tilespmem:$0x18100] =	vst v63  }
0x59: {  	s19 =	simm.s32 $0xA100  }
0x5a: {  	[tilespmem:s19], [sflag:$0x2] =	stream.indirect_vreg.gather [hbm4b:s8+s3], $0x80, v4, vm0, $0xb8;
	[tilespmem:$0x18100] =	vst v63  }
0x5b: {  	v3 =	vperm.xlane v3, v2;
	s12 =	simm.s32 $0xA900  }
0x5c: {  	[tilespmem:s12], [sflag:$0x2] =	stream.indirect_vreg.gather [hbm4b:s9+s3], $0x80, v4, vm0, $0xb8;
	[tilespmem:$0x18100] =	vst v63  }
0x5d: {  	v3 =	vadd.s32 v1, v3;
	s18 =	simm.s32 $0xB100  }
0x5e: {  	[tilespmem:s18], [sflag:$0x2] =	stream.indirect_vreg.gather [hbm4b:s10+s3], $0x80, v4, vm0, $0xb8;
	[tilespmem:$0x18100] =	vst v63  }
0x5f: {  	s19 =	simm.s32 $0xB900  }
0x60: {  	[tilespmem:s19], [sflag:$0x2] =	stream.indirect_vreg.gather [hbm4b:s11+s3], $0x80, v4, vm0, $0xb8;
	[tilespmem:$0x18100] =	vst v63  }
0x61: {  	s18 =	simm.s32 $0xC100  }
0x62: {  	[tilespmem:s18], [sflag:$0x2] =	stream.indirect_vreg.gather [hbm4b:s2+s3], $0x80, v3, vm0, $0xb8;
	[tilespmem:$0x18100] =	vst v63  }
0x63: {  	s19 =	simm.s32 $0xC900  }
0x64: {  	[tilespmem:s19], [sflag:$0x2] =	stream.indirect_vreg.gather [hbm4b:s5+s3], $0x80, v3, vm0, $0xb8;
	[tilespmem:$0x18100] =	vst v63  }
0x65: {  	s18 =	simm.s32 $0xD100  }
0x66: {  	[tilespmem:s18], [sflag:$0x2] =	stream.indirect_vreg.gather [hbm4b:s6+s3], $0x80, v3, vm0, $0xb8;
	[tilespmem:$0x18100] =	vst v63  }
0x67: {  	s19 =	simm.s32 $0xD900  }
0x68: {  	[tilespmem:s19], [sflag:$0x2] =	stream.indirect_vreg.gather [hbm4b:s7+s3], $0x80, v3, vm0, $0xb8;
	[tilespmem:$0x18100] =	vst v63  }
0x69: {  	s18 =	simm.s32 $0xE100  }
0x6a: {  	[tilespmem:s18], [sflag:$0x2] =	stream.indirect_vreg.gather [hbm4b:s8+s3], $0x80, v3, vm0, $0xb8;
	[tilespmem:$0x18100] =	vst v63  }
0x6b: {  	s19 =	simm.s32 $0xE900  }
0x6c: {  	[tilespmem:s19], [sflag:$0x2] =	stream.indirect_vreg.gather [hbm4b:s9+s3], $0x80, v3, vm0, $0xb8;
	[tilespmem:$0x18100] =	vst v63  }
0x6d: {  	s18 =	simm.s32 $0xF100  }
0x6e: {  	[tilespmem:s18], [sflag:$0x2] =	stream.indirect_vreg.gather [hbm4b:s10+s3], $0x80, v3, vm0, $0xb8;
	[tilespmem:$0x18100] =	vst v63  }
0x6f: {  	s19 =	simm.s32 $0xF900  }
0x70: {  	[tilespmem:s19], [sflag:$0x2] =	stream.indirect_vreg.gather [hbm4b:s11+s3], $0x80, v3, vm0, $0xb8;
	[tilespmem:$0x18100] =	vst v63  }
0x71: {  	v3 =	vld [tilespmem:$0x20];
	_ =	sdelay $0x4  }
0x72: {  	v50 =	vshll.u32 v3, $0x4  }
0x73: {  	v3 =	vand.u32 $0x7, v3;
	v4 =	vand.u32 $0xFFFFFF80, v50  }
0x74: {  	v3 =	vor.u32 v3, v4  }
0x75: {  	v4 =	vperm.xlane v3, v0;
	_ =	sdelay $0x1  }
0x76: {  	v4 =	vadd.s32 v1, v4;
	_ =	sdelay $0x3  }
0x77: {  	s18 =	simm.s32 $0x10100  }
0x78: {  	[tilespmem:s18], [sflag:$0x3] =	stream.indirect_vreg.gather [hbm4b:s2+s3], $0x80, v4, vm0, $0xb8;
	[tilespmem:$0x18100] =	vst v63  }
0x79: {  	s19 =	simm.s32 $0x10900  }
0x7a: {  	[tilespmem:s19], [sflag:$0x3] =	stream.indirect_vreg.gather [hbm4b:s5+s3], $0x80, v4, vm0, $0xb8;
	[tilespmem:$0x18100] =	vst v63  }
0x7b: {  	s19 =	simm.s32 $0x11100  }
0x7c: {  	[tilespmem:s19], [sflag:$0x3] =	stream.indirect_vreg.gather [hbm4b:s6+s3], $0x80, v4, vm0, $0xb8;
	[tilespmem:$0x18100] =	vst v63  }
0x7d: {  	s19 =	simm.s32 $0x11900  }
0x7e: {  	[tilespmem:s19], [sflag:$0x3] =	stream.indirect_vreg.gather [hbm4b:s7+s3], $0x80, v4, vm0, $0xb8;
	[tilespmem:$0x18100] =	vst v63  }
0x7f: {  	s19 =	simm.s32 $0x12100  }
0x80: {  	[tilespmem:s19], [sflag:$0x3] =	stream.indirect_vreg.gather [hbm4b:s8+s3], $0x80, v4, vm0, $0xb8;
	[tilespmem:$0x18100] =	vst v63  }
0x81: {  	v3 =	vperm.xlane v3, v2;
	s19 =	simm.s32 $0x12900  }
0x82: {  	[tilespmem:s19], [sflag:$0x3] =	stream.indirect_vreg.gather [hbm4b:s9+s3], $0x80, v4, vm0, $0xb8;
	[tilespmem:$0x18100] =	vst v63  }
0x83: {  	v3 =	vadd.s32 v1, v3;
	s19 =	simm.s32 $0x13100  }
0x84: {  	[tilespmem:s19], [sflag:$0x3] =	stream.indirect_vreg.gather [hbm4b:s10+s3], $0x80, v4, vm0, $0xb8;
	[tilespmem:$0x18100] =	vst v63  }
0x85: {  	s19 =	simm.s32 $0x13900  }
0x86: {  	[tilespmem:s19], [sflag:$0x3] =	stream.indirect_vreg.gather [hbm4b:s11+s3], $0x80, v4, vm0, $0xb8;
	[tilespmem:$0x18100] =	vst v63  }
0x87: {  	s19 =	simm.s32 $0x14100  }
0x88: {  	[tilespmem:s19], [sflag:$0x3] =	stream.indirect_vreg.gather [hbm4b:s2+s3], $0x80, v3, vm0, $0xb8;
	[tilespmem:$0x18100] =	vst v63  }
0x89: {  	s19 =	simm.s32 $0x14900  }
0x8a: {  	[tilespmem:s19], [sflag:$0x3] =	stream.indirect_vreg.gather [hbm4b:s5+s3], $0x80, v3, vm0, $0xb8;
	[tilespmem:$0x18100] =	vst v63  }
0x8b: {  	s19 =	simm.s32 $0x15100  }
0x8c: {  	[tilespmem:s19], [sflag:$0x3] =	stream.indirect_vreg.gather [hbm4b:s6+s3], $0x80, v3, vm0, $0xb8;
	[tilespmem:$0x18100] =	vst v63  }
0x8d: {  	s19 =	simm.s32 $0x15900  }
0x8e: {  	[tilespmem:s19], [sflag:$0x3] =	stream.indirect_vreg.gather [hbm4b:s7+s3], $0x80, v3, vm0, $0xb8;
	[tilespmem:$0x18100] =	vst v63  }
0x8f: {  	s19 =	simm.s32 $0x16100  }
0x90: {  	[tilespmem:s19], [sflag:$0x3] =	stream.indirect_vreg.gather [hbm4b:s8+s3], $0x80, v3, vm0, $0xb8;
	[tilespmem:$0x18100] =	vst v63  }
0x91: {  	s19 =	simm.s32 $0x16900  }
0x92: {  	[tilespmem:s19], [sflag:$0x3] =	stream.indirect_vreg.gather [hbm4b:s9+s3], $0x80, v3, vm0, $0xb8;
	[tilespmem:$0x18100] =	vst v63  }
0x93: {  	s19 =	simm.s32 $0x17100  }
0x94: {  	[tilespmem:s19], [sflag:$0x3] =	stream.indirect_vreg.gather [hbm4b:s10+s3], $0x80, v3, vm0, $0xb8;
	[tilespmem:$0x18100] =	vst v63  }
0x95: {  	s19 =	simm.s32 $0x17900  }
0x96: {  	[tilespmem:s19], [sflag:$0x3] =	stream.indirect_vreg.gather [hbm4b:s11+s3], $0x80, v3, vm0, $0xb8;
	[tilespmem:$0x18100] =	vst v63  }
0x97: {  	_ =	swait.ge [sflag:s0], $0x8000  }
0x98: {  	[sflag:s0] =	ssyncset.done $0x0  }
0x99: {  	s19 =	rddreg [dreg:$0x16];
	[sflag:s0] =	ssyncadd.s32 $0xFFFF8000  }
0x9a: {  	[hbm4b:s19+s3] =	stream.linear.scatter [tilespmem:s20], [sflag:$0x4], $0x8000, $0x38;
	[tilespmem:$0x18100] =	vst v63  }
0x9b: {  	_ =	swait.ge [sflag:s13], $0x8000  }
0x9c: {  	[sflag:s13] =	ssyncset.done $0x0  }
0x9d: {  	s19 =	simm.s32 $0x8100;
	s18 =	rddreg [dreg:$0x5];
	[sflag:s13] =	ssyncadd.s32 $0xFFFF8000  }
0x9e: {  	[hbm4b:s18+s3] =	stream.linear.scatter [tilespmem:s19], [sflag:$0x5], $0x8000, $0x38;
	[tilespmem:$0x18100] =	vst v63  }
0x9f: {  	_ =	swait.ge [sflag:s4], $0x8000  }
0xa0: {  	[sflag:s4] =	ssyncset.done $0x0  }
0xa1: {  	[sflag:s4] =	ssyncadd.s32 $0xFFFF8000  }
0xa2: {  	v3 =	vld [tilespmem:$0x30];
	_ =	sdelay $0x4  }
0xa3: {  	v51 =	vshll.u32 v3, $0x4  }
0xa4: {  	v3 =	vand.u32 $0x7, v3;
	v4 =	vand.u32 $0xFFFFFF80, v51  }
0xa5: {  	v3 =	vor.u32 v3, v4  }
0xa6: {  	v4 =	vperm.xlane v3, v0;
	_ =	sdelay $0x1  }
0xa7: {  	v4 =	vadd.s32 v1, v4;
	_ =	sdelay $0x4  }
0xa8: {  	[tilespmem:s20], [sflag:$0x1] =	stream.indirect_vreg.gather [hbm4b:s2+s3], $0x80, v4, vm0, $0xb8;
	[tilespmem:$0x18100] =	vst v63  }
0xa9: {  	s30 =	simm.s32 $0x900  }
0xaa: {  	[tilespmem:s30], [sflag:$0x1] =	stream.indirect_vreg.gather [hbm4b:s5+s3], $0x80, v4, vm0, $0xb8;
	[tilespmem:$0x18100] =	vst v63  }
0xab: {  	s30 =	simm.s32 $0x1100  }
0xac: {  	[tilespmem:s30], [sflag:$0x1] =	stream.indirect_vreg.gather [hbm4b:s6+s3], $0x80, v4, vm0, $0xb8;
	[tilespmem:$0x18100] =	vst v63  }
0xad: {  	s30 =	simm.s32 $0x1900  }
0xae: {  	[tilespmem:s30], [sflag:$0x1] =	stream.indirect_vreg.gather [hbm4b:s7+s3], $0x80, v4, vm0, $0xb8;
	[tilespmem:$0x18100] =	vst v63  }
0xaf: {  	s1 =	simm.s32 $0x2100  }
0xb0: {  	[tilespmem:s1], [sflag:$0x1] =	stream.indirect_vreg.gather [hbm4b:s8+s3], $0x80, v4, vm0, $0xb8;
	[tilespmem:$0x18100] =	vst v63  }
0xb1: {  	s22 =	simm.s32 $0x2900;
	v3 =	vperm.xlane v3, v2  }
0xb2: {  	[tilespmem:s22], [sflag:$0x1] =	stream.indirect_vreg.gather [hbm4b:s9+s3], $0x80, v4, vm0, $0xb8;
	[tilespmem:$0x18100] =	vst v63  }
0xb3: {  	s21 =	simm.s32 $0x3100;
	v3 =	vadd.s32 v1, v3  }
0xb4: {  	[tilespmem:s21], [sflag:$0x1] =	stream.indirect_vreg.gather [hbm4b:s10+s3], $0x80, v4, vm0, $0xb8;
	[tilespmem:$0x18100] =	vst v63  }
0xb5: {  	s23 =	simm.s32 $0x3900  }
0xb6: {  	[tilespmem:s23], [sflag:$0x1] =	stream.indirect_vreg.gather [hbm4b:s11+s3], $0x80, v4, vm0, $0xb8;
	[tilespmem:$0x18100] =	vst v63  }
0xb7: {  	s24 =	simm.s32 $0x4100  }
0xb8: {  	[tilespmem:s24], [sflag:$0x1] =	stream.indirect_vreg.gather [hbm4b:s2+s3], $0x80, v3, vm0, $0xb8;
	[tilespmem:$0x18100] =	vst v63  }
0xb9: {  	s25 =	simm.s32 $0x4900  }
0xba: {  	[tilespmem:s25], [sflag:$0x1] =	stream.indirect_vreg.gather [hbm4b:s5+s3], $0x80, v3, vm0, $0xb8;
	[tilespmem:$0x18100] =	vst v63  }
0xbb: {  	s26 =	simm.s32 $0x5100  }
0xbc: {  	[tilespmem:s26], [sflag:$0x1] =	stream.indirect_vreg.gather [hbm4b:s6+s3], $0x80, v3, vm0, $0xb8;
	[tilespmem:$0x18100] =	vst v63  }
0xbd: {  	s28 =	simm.s32 $0x5900  }
0xbe: {  	[tilespmem:s28], [sflag:$0x1] =	stream.indirect_vreg.gather [hbm4b:s7+s3], $0x80, v3, vm0, $0xb8;
	[tilespmem:$0x18100] =	vst v63  }
0xbf: {  	s29 =	simm.s32 $0x6100  }
0xc0: {  	[tilespmem:s29], [sflag:$0x1] =	stream.indirect_vreg.gather [hbm4b:s8+s3], $0x80, v3, vm0, $0xb8;
	[tilespmem:$0x18100] =	vst v63  }
0xc1: {  	s29 =	simm.s32 $0x6900  }
0xc2: {  	[tilespmem:s29], [sflag:$0x1] =	stream.indirect_vreg.gather [hbm4b:s9+s3], $0x80, v3, vm0, $0xb8;
	[tilespmem:$0x18100] =	vst v63  }
0xc3: {  	s30 =	simm.s32 $0x7100  }
0xc4: {  	[tilespmem:s30], [sflag:$0x1] =	stream.indirect_vreg.gather [hbm4b:s10+s3], $0x80, v3, vm0, $0xb8;
	[tilespmem:$0x18100] =	vst v63  }
0xc5: {  	s31 =	simm.s32 $0x7900  }
0xc6: {  	[tilespmem:s31], [sflag:$0x1] =	stream.indirect_vreg.gather [hbm4b:s11+s3], $0x80, v3, vm0, $0xb8;
	[tilespmem:$0x18100] =	vst v63  }
0xc7: {  	_ =	swait.ge [sflag:s15], $0x8000  }
0xc8: {  	[sflag:s15] =	ssyncset.done $0x0  }
0xc9: {  	s14 =	simm.s32 $0x10100;
	s1 =	rddreg [dreg:$0x6];
	[sflag:s15] =	ssyncadd.s32 $0xFFFF8000  }
0xca: {  	[hbm4b:s1+s3] =	stream.linear.scatter [tilespmem:s14], [sflag:$0x6], $0x8000, $0x38;
	[tilespmem:$0x18100] =	vst v63  }
0xcb: {  	_ =	swait.ge [sflag:s16], $0x8000  }
0xcc: {  	[sflag:s16] =	ssyncset.done $0x0  }
0xcd: {  	[sflag:s16] =	ssyncadd.s32 $0xFFFF8000  }
0xce: {  	v3 =	vld [tilespmem:$0x40];
	_ =	sdelay $0x4  }
0xcf: {  	v52 =	vshll.u32 v3, $0x4  }
0xd0: {  	v3 =	vand.u32 $0x7, v3;
	v4 =	vand.u32 $0xFFFFFF80, v52  }
0xd1: {  	v3 =	vor.u32 v3, v4  }
0xd2: {  	v4 =	vperm.xlane v3, v0;
	_ =	sdelay $0x1  }
0xd3: {  	v4 =	vadd.s32 v1, v4;
	_ =	sdelay $0x4  }
0xd4: {  	[tilespmem:s19], [sflag:$0x2] =	stream.indirect_vreg.gather [hbm4b:s2+s3], $0x80, v4, vm0, $0xb8;
	[tilespmem:$0x18100] =	vst v63  }
0xd5: {  	s21 =	simm.s32 $0x8900  }
0xd6: {  	[tilespmem:s21], [sflag:$0x2] =	stream.indirect_vreg.gather [hbm4b:s5+s3], $0x80, v4, vm0, $0xb8;
	[tilespmem:$0x18100] =	vst v63  }
0xd7: {  	s23 =	simm.s32 $0x9100  }
0xd8: {  	[tilespmem:s23], [sflag:$0x2] =	stream.indirect_vreg.gather [hbm4b:s6+s3], $0x80, v4, vm0, $0xb8;
	[tilespmem:$0x18100] =	vst v63  }
0xd9: {  	s24 =	simm.s32 $0x9900  }
0xda: {  	[tilespmem:s24], [sflag:$0x2] =	stream.indirect_vreg.gather [hbm4b:s7+s3], $0x80, v4, vm0, $0xb8;
	[tilespmem:$0x18100] =	vst v63  }
0xdb: {  	s19 =	simm.s32 $0xA100  }
0xdc: {  	[tilespmem:s19], [sflag:$0x2] =	stream.indirect_vreg.gather [hbm4b:s8+s3], $0x80, v4, vm0, $0xb8;
	[tilespmem:$0x18100] =	vst v63  }
0xdd: {  	s12 =	simm.s32 $0xA900;
	v3 =	vperm.xlane v3, v2  }
0xde: {  	[tilespmem:s12], [sflag:$0x2] =	stream.indirect_vreg.gather [hbm4b:s9+s3], $0x80, v4, vm0, $0xb8;
	[tilespmem:$0x18100] =	vst v63  }
0xdf: {  	s25 =	simm.s32 $0xB100;
	v3 =	vadd.s32 v1, v3  }
0xe0: {  	[tilespmem:s25], [sflag:$0x2] =	stream.indirect_vreg.gather [hbm4b:s10+s3], $0x80, v4, vm0, $0xb8;
	[tilespmem:$0x18100] =	vst v63  }
0xe1: {  	s26 =	simm.s32 $0xB900  }
0xe2: {  	[tilespmem:s26], [sflag:$0x2] =	stream.indirect_vreg.gather [hbm4b:s11+s3], $0x80, v4, vm0, $0xb8;
	[tilespmem:$0x18100] =	vst v63  }
0xe3: {  	s28 =	simm.s32 $0xC100  }
0xe4: {  	[tilespmem:s28], [sflag:$0x2] =	stream.indirect_vreg.gather [hbm4b:s2+s3], $0x80, v3, vm0, $0xb8;
	[tilespmem:$0x18100] =	vst v63  }
0xe5: {  	s29 =	simm.s32 $0xC900  }
0xe6: {  	[tilespmem:s29], [sflag:$0x2] =	stream.indirect_vreg.gather [hbm4b:s5+s3], $0x80, v3, vm0, $0xb8;
	[tilespmem:$0x18100] =	vst v63  }
0xe7: {  	s30 =	simm.s32 $0xD100  }
0xe8: {  	[tilespmem:s30], [sflag:$0x2] =	stream.indirect_vreg.gather [hbm4b:s6+s3], $0x80, v3, vm0, $0xb8;
	[tilespmem:$0x18100] =	vst v63  }
0xe9: {  	s31 =	simm.s32 $0xD900  }
0xea: {  	[tilespmem:s31], [sflag:$0x2] =	stream.indirect_vreg.gather [hbm4b:s7+s3], $0x80, v3, vm0, $0xb8;
	[tilespmem:$0x18100] =	vst v63  }
0xeb: {  	s22 =	simm.s32 $0xE100  }
0xec: {  	[tilespmem:s22], [sflag:$0x2] =	stream.indirect_vreg.gather [hbm4b:s8+s3], $0x80, v3, vm0, $0xb8;
	[tilespmem:$0x18100] =	vst v63  }
0xed: {  	s18 =	simm.s32 $0xE900  }
0xee: {  	[tilespmem:s18], [sflag:$0x2] =	stream.indirect_vreg.gather [hbm4b:s9+s3], $0x80, v3, vm0, $0xb8;
	[tilespmem:$0x18100] =	vst v63  }
0xef: {  	s18 =	simm.s32 $0xF100  }
0xf0: {  	[tilespmem:s18], [sflag:$0x2] =	stream.indirect_vreg.gather [hbm4b:s10+s3], $0x80, v3, vm0, $0xb8;
	[tilespmem:$0x18100] =	vst v63  }
0xf1: {  	s18 =	simm.s32 $0xF900  }
0xf2: {  	[tilespmem:s18], [sflag:$0x2] =	stream.indirect_vreg.gather [hbm4b:s11+s3], $0x80, v3, vm0, $0xb8;
	[tilespmem:$0x18100] =	vst v63  }
0xf3: {  	_ =	swait.ge [sflag:s0], $0x8000  }
0xf4: {  	[sflag:s0] =	ssyncset.done $0x0  }
0xf5: {  	s12 =	rddreg [dreg:$0x7];
	[sflag:s0] =	ssyncadd.s32 $0xFFFF8000  }
0xf6: {  	[hbm4b:s12+s3] =	stream.linear.scatter [tilespmem:s20], [sflag:$0x4], $0x8000, $0x38;
	[tilespmem:$0x18100] =	vst v63  }
0xf7: {  	_ =	swait.ge [sflag:s17], $0x8000  }
0xf8: {  	[sflag:s17] =	ssyncset.done $0x0  }
0xf9: {  	[sflag:s17] =	ssyncadd.s32 $0xFFFF8000  }
0xfa: {  	v3 =	vld [tilespmem:$0x50];
	_ =	sdelay $0x4  }
0xfb: {  	v53 =	vshll.u32 v3, $0x4  }
0xfc: {  	v3 =	vand.u32 $0x7, v3;
	v4 =	vand.u32 $0xFFFFFF80, v53  }
0xfd: {  	v3 =	vor.u32 v3, v4  }
0xfe: {  	v4 =	vperm.xlane v3, v0;
	_ =	sdelay $0x1  }
0xff: {  	v4 =	vadd.s32 v1, v4;
	_ =	sdelay $0x3  }
0x100: {  	s1 =	simm.s32 $0x10100  }
0x101: {  	[tilespmem:s1], [sflag:$0x3] =	stream.indirect_vreg.gather [hbm4b:s2+s3], $0x80, v4, vm0, $0xb8;
	[tilespmem:$0x18100] =	vst v63  }
0x102: {  	s18 =	simm.s32 $0x10900  }
0x103: {  	[tilespmem:s18], [sflag:$0x3] =	stream.indirect_vreg.gather [hbm4b:s5+s3], $0x80, v4, vm0, $0xb8;
	[tilespmem:$0x18100] =	vst v63  }
0x104: {  	s18 =	simm.s32 $0x11100  }
0x105: {  	[tilespmem:s18], [sflag:$0x3] =	stream.indirect_vreg.gather [hbm4b:s6+s3], $0x80, v4, vm0, $0xb8;
	[tilespmem:$0x18100] =	vst v63  }
0x106: {  	s18 =	simm.s32 $0x11900  }
0x107: {  	[tilespmem:s18], [sflag:$0x3] =	stream.indirect_vreg.gather [hbm4b:s7+s3], $0x80, v4, vm0, $0xb8;
	[tilespmem:$0x18100] =	vst v63  }
0x108: {  	s18 =	simm.s32 $0x12100  }
0x109: {  	[tilespmem:s18], [sflag:$0x3] =	stream.indirect_vreg.gather [hbm4b:s8+s3], $0x80, v4, vm0, $0xb8;
	[tilespmem:$0x18100] =	vst v63  }
0x10a: {  	v3 =	vperm.xlane v3, v2;
	s18 =	simm.s32 $0x12900  }
0x10b: {  	[tilespmem:s18], [sflag:$0x3] =	stream.indirect_vreg.gather [hbm4b:s9+s3], $0x80, v4, vm0, $0xb8;
	[tilespmem:$0x18100] =	vst v63  }
0x10c: {  	v3 =	vadd.s32 v1, v3;
	s18 =	simm.s32 $0x13100  }
0x10d: {  	[tilespmem:s18], [sflag:$0x3] =	stream.indirect_vreg.gather [hbm4b:s10+s3], $0x80, v4, vm0, $0xb8;
	[tilespmem:$0x18100] =	vst v63  }
0x10e: {  	s18 =	simm.s32 $0x13900  }
0x10f: {  	[tilespmem:s18], [sflag:$0x3] =	stream.indirect_vreg.gather [hbm4b:s11+s3], $0x80, v4, vm0, $0xb8;
	[tilespmem:$0x18100] =	vst v63  }
0x110: {  	s18 =	simm.s32 $0x14100  }
0x111: {  	[tilespmem:s18], [sflag:$0x3] =	stream.indirect_vreg.gather [hbm4b:s2+s3], $0x80, v3, vm0, $0xb8;
	[tilespmem:$0x18100] =	vst v63  }
0x112: {  	s18 =	simm.s32 $0x14900  }
0x113: {  	[tilespmem:s18], [sflag:$0x3] =	stream.indirect_vreg.gather [hbm4b:s5+s3], $0x80, v3, vm0, $0xb8;
	[tilespmem:$0x18100] =	vst v63  }
0x114: {  	s18 =	simm.s32 $0x15100  }
0x115: {  	[tilespmem:s18], [sflag:$0x3] =	stream.indirect_vreg.gather [hbm4b:s6+s3], $0x80, v3, vm0, $0xb8;
	[tilespmem:$0x18100] =	vst v63  }
0x116: {  	s18 =	simm.s32 $0x15900  }
0x117: {  	[tilespmem:s18], [sflag:$0x3] =	stream.indirect_vreg.gather [hbm4b:s7+s3], $0x80, v3, vm0, $0xb8;
	[tilespmem:$0x18100] =	vst v63  }
0x118: {  	s18 =	simm.s32 $0x16100  }
0x119: {  	[tilespmem:s18], [sflag:$0x3] =	stream.indirect_vreg.gather [hbm4b:s8+s3], $0x80, v3, vm0, $0xb8;
	[tilespmem:$0x18100] =	vst v63  }
0x11a: {  	s18 =	simm.s32 $0x16900  }
0x11b: {  	[tilespmem:s18], [sflag:$0x3] =	stream.indirect_vreg.gather [hbm4b:s9+s3], $0x80, v3, vm0, $0xb8;
	[tilespmem:$0x18100] =	vst v63  }
0x11c: {  	s18 =	simm.s32 $0x17100  }
0x11d: {  	[tilespmem:s18], [sflag:$0x3] =	stream.indirect_vreg.gather [hbm4b:s10+s3], $0x80, v3, vm0, $0xb8;
	[tilespmem:$0x18100] =	vst v63  }
0x11e: {  	s18 =	simm.s32 $0x17900  }
0x11f: {  	[tilespmem:s18], [sflag:$0x3] =	stream.indirect_vreg.gather [hbm4b:s11+s3], $0x80, v3, vm0, $0xb8;
	[tilespmem:$0x18100] =	vst v63  }
0x120: {  	_ =	swait.ge [sflag:s13], $0x8000  }
0x121: {  	[sflag:s13] =	ssyncset.done $0x0  }
0x122: {  	s14 =	simm.s32 $0x8100;
	s1 =	rddreg [dreg:$0x8];
	[sflag:s13] =	ssyncadd.s32 $0xFFFF8000  }
0x123: {  	[hbm4b:s1+s3] =	stream.linear.scatter [tilespmem:s14], [sflag:$0x5], $0x8000, $0x38;
	[tilespmem:$0x18100] =	vst v63  }
0x124: {  	_ =	swait.ge [sflag:s4], $0x8000  }
0x125: {  	[sflag:s4] =	ssyncset.done $0x0  }
0x126: {  	[sflag:s4] =	ssyncadd.s32 $0xFFFF8000  }
0x127: {  	v3 =	vld [tilespmem:$0x60];
	_ =	sdelay $0x4  }
0x128: {  	v54 =	vshll.u32 v3, $0x4  }
0x129: {  	v3 =	vand.u32 $0x7, v3;
	v4 =	vand.u32 $0xFFFFFF80, v54  }
0x12a: {  	v3 =	vor.u32 v3, v4  }
0x12b: {  	v4 =	vperm.xlane v3, v0;
	_ =	sdelay $0x1  }
0x12c: {  	v4 =	vadd.s32 v1, v4;
	_ =	sdelay $0x4  }
0x12d: {  	[tilespmem:s20], [sflag:$0x1] =	stream.indirect_vreg.gather [hbm4b:s2+s3], $0x80, v4, vm0, $0xb8;
	[tilespmem:$0x18100] =	vst v63  }
0x12e: {  	s18 =	simm.s32 $0x900  }
0x12f: {  	[tilespmem:s18], [sflag:$0x1] =	stream.indirect_vreg.gather [hbm4b:s5+s3], $0x80, v4, vm0, $0xb8;
	[tilespmem:$0x18100] =	vst v63  }
0x130: {  	s18 =	simm.s32 $0x1100  }
0x131: {  	[tilespmem:s18], [sflag:$0x1] =	stream.indirect_vreg.gather [hbm4b:s6+s3], $0x80, v4, vm0, $0xb8;
	[tilespmem:$0x18100] =	vst v63  }
0x132: {  	s18 =	simm.s32 $0x1900  }
0x133: {  	[tilespmem:s18], [sflag:$0x1] =	stream.indirect_vreg.gather [hbm4b:s7+s3], $0x80, v4, vm0, $0xb8;
	[tilespmem:$0x18100] =	vst v63  }
0x134: {  	s18 =	simm.s32 $0x2100  }
0x135: {  	[tilespmem:s18], [sflag:$0x1] =	stream.indirect_vreg.gather [hbm4b:s8+s3], $0x80, v4, vm0, $0xb8;
	[tilespmem:$0x18100] =	vst v63  }
0x136: {  	v3 =	vperm.xlane v3, v2;
	s18 =	simm.s32 $0x2900  }
0x137: {  	[tilespmem:s18], [sflag:$0x1] =	stream.indirect_vreg.gather [hbm4b:s9+s3], $0x80, v4, vm0, $0xb8;
	[tilespmem:$0x18100] =	vst v63  }
0x138: {  	v3 =	vadd.s32 v1, v3;
	s18 =	simm.s32 $0x3100  }
0x139: {  	[tilespmem:s18], [sflag:$0x1] =	stream.indirect_vreg.gather [hbm4b:s10+s3], $0x80, v4, vm0, $0xb8;
	[tilespmem:$0x18100] =	vst v63  }
0x13a: {  	s18 =	simm.s32 $0x3900  }
0x13b: {  	[tilespmem:s18], [sflag:$0x1] =	stream.indirect_vreg.gather [hbm4b:s11+s3], $0x80, v4, vm0, $0xb8;
	[tilespmem:$0x18100] =	vst v63  }
0x13c: {  	s18 =	simm.s32 $0x4100  }
0x13d: {  	[tilespmem:s18], [sflag:$0x1] =	stream.indirect_vreg.gather [hbm4b:s2+s3], $0x80, v3, vm0, $0xb8;
	[tilespmem:$0x18100] =	vst v63  }
0x13e: {  	s18 =	simm.s32 $0x4900  }
0x13f: {  	[tilespmem:s18], [sflag:$0x1] =	stream.indirect_vreg.gather [hbm4b:s5+s3], $0x80, v3, vm0, $0xb8;
	[tilespmem:$0x18100] =	vst v63  }
0x140: {  	s18 =	simm.s32 $0x5100  }
0x141: {  	[tilespmem:s18], [sflag:$0x1] =	stream.indirect_vreg.gather [hbm4b:s6+s3], $0x80, v3, vm0, $0xb8;
	[tilespmem:$0x18100] =	vst v63  }
0x142: {  	s18 =	simm.s32 $0x5900  }
0x143: {  	[tilespmem:s18], [sflag:$0x1] =	stream.indirect_vreg.gather [hbm4b:s7+s3], $0x80, v3, vm0, $0xb8;
	[tilespmem:$0x18100] =	vst v63  }
0x144: {  	s18 =	simm.s32 $0x6100  }
0x145: {  	[tilespmem:s18], [sflag:$0x1] =	stream.indirect_vreg.gather [hbm4b:s8+s3], $0x80, v3, vm0, $0xb8;
	[tilespmem:$0x18100] =	vst v63  }
0x146: {  	s18 =	simm.s32 $0x6900  }
0x147: {  	[tilespmem:s18], [sflag:$0x1] =	stream.indirect_vreg.gather [hbm4b:s9+s3], $0x80, v3, vm0, $0xb8;
	[tilespmem:$0x18100] =	vst v63  }
0x148: {  	s18 =	simm.s32 $0x7100  }
0x149: {  	[tilespmem:s18], [sflag:$0x1] =	stream.indirect_vreg.gather [hbm4b:s10+s3], $0x80, v3, vm0, $0xb8;
	[tilespmem:$0x18100] =	vst v63  }
0x14a: {  	s18 =	simm.s32 $0x7900  }
0x14b: {  	[tilespmem:s18], [sflag:$0x1] =	stream.indirect_vreg.gather [hbm4b:s11+s3], $0x80, v3, vm0, $0xb8;
	[tilespmem:$0x18100] =	vst v63  }
0x14c: {  	_ =	swait.ge [sflag:s15], $0x8000  }
0x14d: {  	[sflag:s15] =	ssyncset.done $0x0  }
0x14e: {  	s12 =	simm.s32 $0x10100;
	s14 =	rddreg [dreg:$0x9];
	[sflag:s15] =	ssyncadd.s32 $0xFFFF8000  }
0x14f: {  	[hbm4b:s14+s3] =	stream.linear.scatter [tilespmem:s12], [sflag:$0x6], $0x8000, $0x38;
	[tilespmem:$0x18100] =	vst v63  }
0x150: {  	_ =	swait.ge [sflag:s16], $0x8000  }
0x151: {  	[sflag:s16] =	ssyncset.done $0x0  }
0x152: {  	[sflag:s16] =	ssyncadd.s32 $0xFFFF8000  }
0x153: {  	v3 =	vld [tilespmem:$0x70];
	_ =	sdelay $0x4  }
0x154: {  	v55 =	vshll.u32 v3, $0x4  }
0x155: {  	v3 =	vand.u32 $0x7, v3;
	v4 =	vand.u32 $0xFFFFFF80, v55  }
0x156: {  	v3 =	vor.u32 v3, v4  }
0x157: {  	v4 =	vperm.xlane v3, v0;
	_ =	sdelay $0x1  }
0x158: {  	v4 =	vadd.s32 v1, v4;
	_ =	sdelay $0x3  }
0x159: {  	s1 =	simm.s32 $0x8100  }
0x15a: {  	[tilespmem:s1], [sflag:$0x2] =	stream.indirect_vreg.gather [hbm4b:s2+s3], $0x80, v4, vm0, $0xb8;
	[tilespmem:$0x18100] =	vst v63  }
0x15b: {  	_ = 	snop  }
0x15c: {  	[tilespmem:s21], [sflag:$0x2] =	stream.indirect_vreg.gather [hbm4b:s5+s3], $0x80, v4, vm0, $0xb8;
	[tilespmem:$0x18100] =	vst v63  }
0x15d: {  	_ = 	snop  }
0x15e: {  	[tilespmem:s23], [sflag:$0x2] =	stream.indirect_vreg.gather [hbm4b:s6+s3], $0x80, v4, vm0, $0xb8;
	[tilespmem:$0x18100] =	vst v63  }
0x15f: {  	_ = 	snop  }
0x160: {  	[tilespmem:s24], [sflag:$0x2] =	stream.indirect_vreg.gather [hbm4b:s7+s3], $0x80, v4, vm0, $0xb8;
	[tilespmem:$0x18100] =	vst v63  }
0x161: {  	_ = 	snop  }
0x162: {  	[tilespmem:s19], [sflag:$0x2] =	stream.indirect_vreg.gather [hbm4b:s8+s3], $0x80, v4, vm0, $0xb8;
	[tilespmem:$0x18100] =	vst v63  }
0x163: {  	v3 =	vperm.xlane v3, v2;
	s21 =	simm.s32 $0xA900  }
0x164: {  	[tilespmem:s21], [sflag:$0x2] =	stream.indirect_vreg.gather [hbm4b:s9+s3], $0x80, v4, vm0, $0xb8;
	[tilespmem:$0x18100] =	vst v63  }
0x165: {  	v3 =	vadd.s32 v1, v3  }
0x166: {  	[tilespmem:s25], [sflag:$0x2] =	stream.indirect_vreg.gather [hbm4b:s10+s3], $0x80, v4, vm0, $0xb8;
	[tilespmem:$0x18100] =	vst v63  }
0x167: {  	_ = 	snop  }
0x168: {  	[tilespmem:s26], [sflag:$0x2] =	stream.indirect_vreg.gather [hbm4b:s11+s3], $0x80, v4, vm0, $0xb8;
	[tilespmem:$0x18100] =	vst v63  }
0x169: {  	_ = 	snop  }
0x16a: {  	[tilespmem:s28], [sflag:$0x2] =	stream.indirect_vreg.gather [hbm4b:s2+s3], $0x80, v3, vm0, $0xb8;
	[tilespmem:$0x18100] =	vst v63  }
0x16b: {  	_ = 	snop  }
0x16c: {  	[tilespmem:s29], [sflag:$0x2] =	stream.indirect_vreg.gather [hbm4b:s5+s3], $0x80, v3, vm0, $0xb8;
	[tilespmem:$0x18100] =	vst v63  }
0x16d: {  	_ = 	snop  }
0x16e: {  	[tilespmem:s30], [sflag:$0x2] =	stream.indirect_vreg.gather [hbm4b:s6+s3], $0x80, v3, vm0, $0xb8;
	[tilespmem:$0x18100] =	vst v63  }
0x16f: {  	_ = 	snop  }
0x170: {  	[tilespmem:s31], [sflag:$0x2] =	stream.indirect_vreg.gather [hbm4b:s7+s3], $0x80, v3, vm0, $0xb8;
	[tilespmem:$0x18100] =	vst v63  }
0x171: {  	_ = 	snop  }
0x172: {  	[tilespmem:s22], [sflag:$0x2] =	stream.indirect_vreg.gather [hbm4b:s8+s3], $0x80, v3, vm0, $0xb8;
	[tilespmem:$0x18100] =	vst v63  }
0x173: {  	s22 =	simm.s32 $0xE900  }
0x174: {  	[tilespmem:s22], [sflag:$0x2] =	stream.indirect_vreg.gather [hbm4b:s9+s3], $0x80, v3, vm0, $0xb8;
	[tilespmem:$0x18100] =	vst v63  }
0x175: {  	s21 =	simm.s32 $0xF100  }
0x176: {  	[tilespmem:s21], [sflag:$0x2] =	stream.indirect_vreg.gather [hbm4b:s10+s3], $0x80, v3, vm0, $0xb8;
	[tilespmem:$0x18100] =	vst v63  }
0x177: {  	s22 =	simm.s32 $0xF900  }
0x178: {  	[tilespmem:s22], [sflag:$0x2] =	stream.indirect_vreg.gather [hbm4b:s11+s3], $0x80, v3, vm0, $0xb8;
	[tilespmem:$0x18100] =	vst v63  }
0x179: {  	_ =	swait.ge [sflag:s0], $0x8000  }
0x17a: {  	[sflag:s0] =	ssyncset.done $0x0  }
0x17b: {  	s22 =	rddreg [dreg:$0xa];
	[sflag:s0] =	ssyncadd.s32 $0xFFFF8000  }
0x17c: {  	[hbm4b:s22+s3] =	stream.linear.scatter [tilespmem:s20], [sflag:$0x4], $0x8000, $0x38;
	[tilespmem:$0x18100] =	vst v63  }
0x17d: {  	_ =	swait.ge [sflag:s17], $0x8000  }
0x17e: {  	[sflag:s17] =	ssyncset.done $0x0  }
0x17f: {  	[sflag:s17] =	ssyncadd.s32 $0xFFFF8000  }
0x180: {  	v3 =	vld [tilespmem:$0x80];
	_ =	sdelay $0x4  }
0x181: {  	v56 =	vshll.u32 v3, $0x4  }
0x182: {  	v3 =	vand.u32 $0x7, v3;
	v4 =	vand.u32 $0xFFFFFF80, v56  }
0x183: {  	v3 =	vor.u32 v3, v4  }
0x184: {  	v4 =	vperm.xlane v3, v0;
	_ =	sdelay $0x1  }
0x185: {  	v4 =	vadd.s32 v1, v4;
	_ =	sdelay $0x3  }
0x186: {  	s12 =	simm.s32 $0x10100  }
0x187: {  	[tilespmem:s12], [sflag:$0x3] =	stream.indirect_vreg.gather [hbm4b:s2+s3], $0x80, v4, vm0, $0xb8;
	[tilespmem:$0x18100] =	vst v63  }
0x188: {  	s22 =	simm.s32 $0x10900  }
0x189: {  	[tilespmem:s22], [sflag:$0x3] =	stream.indirect_vreg.gather [hbm4b:s5+s3], $0x80, v4, vm0, $0xb8;
	[tilespmem:$0x18100] =	vst v63  }
0x18a: {  	s22 =	simm.s32 $0x11100  }
0x18b: {  	[tilespmem:s22], [sflag:$0x3] =	stream.indirect_vreg.gather [hbm4b:s6+s3], $0x80, v4, vm0, $0xb8;
	[tilespmem:$0x18100] =	vst v63  }
0x18c: {  	s22 =	simm.s32 $0x11900  }
0x18d: {  	[tilespmem:s22], [sflag:$0x3] =	stream.indirect_vreg.gather [hbm4b:s7+s3], $0x80, v4, vm0, $0xb8;
	[tilespmem:$0x18100] =	vst v63  }
0x18e: {  	s22 =	simm.s32 $0x12100  }
0x18f: {  	[tilespmem:s22], [sflag:$0x3] =	stream.indirect_vreg.gather [hbm4b:s8+s3], $0x80, v4, vm0, $0xb8;
	[tilespmem:$0x18100] =	vst v63  }
0x190: {  	v3 =	vperm.xlane v3, v2;
	s22 =	simm.s32 $0x12900  }
0x191: {  	[tilespmem:s22], [sflag:$0x3] =	stream.indirect_vreg.gather [hbm4b:s9+s3], $0x80, v4, vm0, $0xb8;
	[tilespmem:$0x18100] =	vst v63  }
0x192: {  	v3 =	vadd.s32 v1, v3;
	s22 =	simm.s32 $0x13100  }
0x193: {  	[tilespmem:s22], [sflag:$0x3] =	stream.indirect_vreg.gather [hbm4b:s10+s3], $0x80, v4, vm0, $0xb8;
	[tilespmem:$0x18100] =	vst v63  }
0x194: {  	s22 =	simm.s32 $0x13900  }
0x195: {  	[tilespmem:s22], [sflag:$0x3] =	stream.indirect_vreg.gather [hbm4b:s11+s3], $0x80, v4, vm0, $0xb8;
	[tilespmem:$0x18100] =	vst v63  }
0x196: {  	s22 =	simm.s32 $0x14100  }
0x197: {  	[tilespmem:s22], [sflag:$0x3] =	stream.indirect_vreg.gather [hbm4b:s2+s3], $0x80, v3, vm0, $0xb8;
	[tilespmem:$0x18100] =	vst v63  }
0x198: {  	s22 =	simm.s32 $0x14900  }
0x199: {  	[tilespmem:s22], [sflag:$0x3] =	stream.indirect_vreg.gather [hbm4b:s5+s3], $0x80, v3, vm0, $0xb8;
	[tilespmem:$0x18100] =	vst v63  }
0x19a: {  	s22 =	simm.s32 $0x15100  }
0x19b: {  	[tilespmem:s22], [sflag:$0x3] =	stream.indirect_vreg.gather [hbm4b:s6+s3], $0x80, v3, vm0, $0xb8;
	[tilespmem:$0x18100] =	vst v63  }
0x19c: {  	s22 =	simm.s32 $0x15900  }
0x19d: {  	[tilespmem:s22], [sflag:$0x3] =	stream.indirect_vreg.gather [hbm4b:s7+s3], $0x80, v3, vm0, $0xb8;
	[tilespmem:$0x18100] =	vst v63  }
0x19e: {  	s22 =	simm.s32 $0x16100  }
0x19f: {  	[tilespmem:s22], [sflag:$0x3] =	stream.indirect_vreg.gather [hbm4b:s8+s3], $0x80, v3, vm0, $0xb8;
	[tilespmem:$0x18100] =	vst v63  }
0x1a0: {  	s22 =	simm.s32 $0x16900  }
0x1a1: {  	[tilespmem:s22], [sflag:$0x3] =	stream.indirect_vreg.gather [hbm4b:s9+s3], $0x80, v3, vm0, $0xb8;
	[tilespmem:$0x18100] =	vst v63  }
0x1a2: {  	s22 =	simm.s32 $0x17100  }
0x1a3: {  	[tilespmem:s22], [sflag:$0x3] =	stream.indirect_vreg.gather [hbm4b:s10+s3], $0x80, v3, vm0, $0xb8;
	[tilespmem:$0x18100] =	vst v63  }
0x1a4: {  	s22 =	simm.s32 $0x17900  }
0x1a5: {  	[tilespmem:s22], [sflag:$0x3] =	stream.indirect_vreg.gather [hbm4b:s11+s3], $0x80, v3, vm0, $0xb8;
	[tilespmem:$0x18100] =	vst v63  }
0x1a6: {  	_ =	swait.ge [sflag:s13], $0x8000  }
0x1a7: {  	[sflag:s13] =	ssyncset.done $0x0  }
0x1a8: {  	s1 =	simm.s32 $0x8100;
	s22 =	rddreg [dreg:$0xb];
	[sflag:s13] =	ssyncadd.s32 $0xFFFF8000  }
0x1a9: {  	[hbm4b:s22+s3] =	stream.linear.scatter [tilespmem:s1], [sflag:$0x5], $0x8000, $0x38;
	[tilespmem:$0x18100] =	vst v63  }
0x1aa: {  	_ =	swait.ge [sflag:s4], $0x8000  }
0x1ab: {  	[sflag:s4] =	ssyncset.done $0x0  }
0x1ac: {  	[sflag:s4] =	ssyncadd.s32 $0xFFFF8000  }
0x1ad: {  	v3 =	vld [tilespmem:$0x90];
	_ =	sdelay $0x4  }
0x1ae: {  	v57 =	vshll.u32 v3, $0x4  }
0x1af: {  	v3 =	vand.u32 $0x7, v3;
	v4 =	vand.u32 $0xFFFFFF80, v57  }
0x1b0: {  	v3 =	vor.u32 v3, v4  }
0x1b1: {  	v4 =	vperm.xlane v3, v0;
	_ =	sdelay $0x1  }
0x1b2: {  	v4 =	vadd.s32 v1, v4;
	_ =	sdelay $0x4  }
0x1b3: {  	[tilespmem:s20], [sflag:$0x1] =	stream.indirect_vreg.gather [hbm4b:s2+s3], $0x80, v4, vm0, $0xb8;
	[tilespmem:$0x18100] =	vst v63  }
0x1b4: {  	s22 =	simm.s32 $0x900  }
0x1b5: {  	[tilespmem:s22], [sflag:$0x1] =	stream.indirect_vreg.gather [hbm4b:s5+s3], $0x80, v4, vm0, $0xb8;
	[tilespmem:$0x18100] =	vst v63  }
0x1b6: {  	s22 =	simm.s32 $0x1100  }
0x1b7: {  	[tilespmem:s22], [sflag:$0x1] =	stream.indirect_vreg.gather [hbm4b:s6+s3], $0x80, v4, vm0, $0xb8;
	[tilespmem:$0x18100] =	vst v63  }
0x1b8: {  	s22 =	simm.s32 $0x1900  }
0x1b9: {  	[tilespmem:s22], [sflag:$0x1] =	stream.indirect_vreg.gather [hbm4b:s7+s3], $0x80, v4, vm0, $0xb8;
	[tilespmem:$0x18100] =	vst v63  }
0x1ba: {  	s22 =	simm.s32 $0x2100  }
0x1bb: {  	[tilespmem:s22], [sflag:$0x1] =	stream.indirect_vreg.gather [hbm4b:s8+s3], $0x80, v4, vm0, $0xb8;
	[tilespmem:$0x18100] =	vst v63  }
0x1bc: {  	v3 =	vperm.xlane v3, v2;
	s22 =	simm.s32 $0x2900  }
0x1bd: {  	[tilespmem:s22], [sflag:$0x1] =	stream.indirect_vreg.gather [hbm4b:s9+s3], $0x80, v4, vm0, $0xb8;
	[tilespmem:$0x18100] =	vst v63  }
0x1be: {  	v3 =	vadd.s32 v1, v3;
	s22 =	simm.s32 $0x3100  }
0x1bf: {  	[tilespmem:s22], [sflag:$0x1] =	stream.indirect_vreg.gather [hbm4b:s10+s3], $0x80, v4, vm0, $0xb8;
	[tilespmem:$0x18100] =	vst v63  }
0x1c0: {  	s22 =	simm.s32 $0x3900  }
0x1c1: {  	[tilespmem:s22], [sflag:$0x1] =	stream.indirect_vreg.gather [hbm4b:s11+s3], $0x80, v4, vm0, $0xb8;
	[tilespmem:$0x18100] =	vst v63  }
0x1c2: {  	s22 =	simm.s32 $0x4100  }
0x1c3: {  	[tilespmem:s22], [sflag:$0x1] =	stream.indirect_vreg.gather [hbm4b:s2+s3], $0x80, v3, vm0, $0xb8;
	[tilespmem:$0x18100] =	vst v63  }
0x1c4: {  	s22 =	simm.s32 $0x4900  }
0x1c5: {  	[tilespmem:s22], [sflag:$0x1] =	stream.indirect_vreg.gather [hbm4b:s5+s3], $0x80, v3, vm0, $0xb8;
	[tilespmem:$0x18100] =	vst v63  }
0x1c6: {  	s22 =	simm.s32 $0x5100  }
0x1c7: {  	[tilespmem:s22], [sflag:$0x1] =	stream.indirect_vreg.gather [hbm4b:s6+s3], $0x80, v3, vm0, $0xb8;
	[tilespmem:$0x18100] =	vst v63  }
0x1c8: {  	s22 =	simm.s32 $0x5900  }
0x1c9: {  	[tilespmem:s22], [sflag:$0x1] =	stream.indirect_vreg.gather [hbm4b:s7+s3], $0x80, v3, vm0, $0xb8;
	[tilespmem:$0x18100] =	vst v63  }
0x1ca: {  	s22 =	simm.s32 $0x6100  }
0x1cb: {  	[tilespmem:s22], [sflag:$0x1] =	stream.indirect_vreg.gather [hbm4b:s8+s3], $0x80, v3, vm0, $0xb8;
	[tilespmem:$0x18100] =	vst v63  }
0x1cc: {  	s22 =	simm.s32 $0x6900  }
0x1cd: {  	[tilespmem:s22], [sflag:$0x1] =	stream.indirect_vreg.gather [hbm4b:s9+s3], $0x80, v3, vm0, $0xb8;
	[tilespmem:$0x18100] =	vst v63  }
0x1ce: {  	s22 =	simm.s32 $0x7100  }
0x1cf: {  	[tilespmem:s22], [sflag:$0x1] =	stream.indirect_vreg.gather [hbm4b:s10+s3], $0x80, v3, vm0, $0xb8;
	[tilespmem:$0x18100] =	vst v63  }
0x1d0: {  	s22 =	simm.s32 $0x7900  }
0x1d1: {  	[tilespmem:s22], [sflag:$0x1] =	stream.indirect_vreg.gather [hbm4b:s11+s3], $0x80, v3, vm0, $0xb8;
	[tilespmem:$0x18100] =	vst v63  }
0x1d2: {  	_ =	swait.ge [sflag:s15], $0x8000  }
0x1d3: {  	[sflag:s15] =	ssyncset.done $0x0  }
0x1d4: {  	s22 =	rddreg [dreg:$0xc];
	[sflag:s15] =	ssyncadd.s32 $0xFFFF8000  }
0x1d5: {  	[hbm4b:s22+s3] =	stream.linear.scatter [tilespmem:s12], [sflag:$0x6], $0x8000, $0x38;
	[tilespmem:$0x18100] =	vst v63  }
0x1d6: {  	_ =	swait.ge [sflag:s16], $0x8000  }
0x1d7: {  	[sflag:s16] =	ssyncset.done $0x0  }
0x1d8: {  	[sflag:s16] =	ssyncadd.s32 $0xFFFF8000  }
0x1d9: {  	v3 =	vld [tilespmem:$0xA0];
	_ =	sdelay $0x4  }
0x1da: {  	v58 =	vshll.u32 v3, $0x4  }
0x1db: {  	v3 =	vand.u32 $0x7, v3;
	v4 =	vand.u32 $0xFFFFFF80, v58  }
0x1dc: {  	v3 =	vor.u32 v3, v4  }
0x1dd: {  	v4 =	vperm.xlane v3, v0;
	_ =	sdelay $0x1  }
0x1de: {  	v4 =	vadd.s32 v1, v4;
	_ =	sdelay $0x4  }
0x1df: {  	[tilespmem:s1], [sflag:$0x2] =	stream.indirect_vreg.gather [hbm4b:s2+s3], $0x80, v4, vm0, $0xb8;
	[tilespmem:$0x18100] =	vst v63  }
0x1e0: {  	s14 =	simm.s32 $0x8900  }
0x1e1: {  	[tilespmem:s14], [sflag:$0x2] =	stream.indirect_vreg.gather [hbm4b:s5+s3], $0x80, v4, vm0, $0xb8;
	[tilespmem:$0x18100] =	vst v63  }
0x1e2: {  	s23 =	simm.s32 $0x9100  }
0x1e3: {  	[tilespmem:s23], [sflag:$0x2] =	stream.indirect_vreg.gather [hbm4b:s6+s3], $0x80, v4, vm0, $0xb8;
	[tilespmem:$0x18100] =	vst v63  }
0x1e4: {  	s24 =	simm.s32 $0x9900  }
0x1e5: {  	[tilespmem:s24], [sflag:$0x2] =	stream.indirect_vreg.gather [hbm4b:s7+s3], $0x80, v4, vm0, $0xb8;
	[tilespmem:$0x18100] =	vst v63  }
0x1e6: {  	s19 =	simm.s32 $0xA100  }
0x1e7: {  	[tilespmem:s19], [sflag:$0x2] =	stream.indirect_vreg.gather [hbm4b:s8+s3], $0x80, v4, vm0, $0xb8;
	[tilespmem:$0x18100] =	vst v63  }
0x1e8: {  	v3 =	vperm.xlane v3, v2;
	s24 =	simm.s32 $0xA900  }
0x1e9: {  	[tilespmem:s24], [sflag:$0x2] =	stream.indirect_vreg.gather [hbm4b:s9+s3], $0x80, v4, vm0, $0xb8;
	[tilespmem:$0x18100] =	vst v63  }
0x1ea: {  	s25 =	simm.s32 $0xB100;
	v3 =	vadd.s32 v1, v3  }
0x1eb: {  	[tilespmem:s25], [sflag:$0x2] =	stream.indirect_vreg.gather [hbm4b:s10+s3], $0x80, v4, vm0, $0xb8;
	[tilespmem:$0x18100] =	vst v63  }
0x1ec: {  	s26 =	simm.s32 $0xB900  }
0x1ed: {  	[tilespmem:s26], [sflag:$0x2] =	stream.indirect_vreg.gather [hbm4b:s11+s3], $0x80, v4, vm0, $0xb8;
	[tilespmem:$0x18100] =	vst v63  }
0x1ee: {  	s28 =	simm.s32 $0xC100  }
0x1ef: {  	[tilespmem:s28], [sflag:$0x2] =	stream.indirect_vreg.gather [hbm4b:s2+s3], $0x80, v3, vm0, $0xb8;
	[tilespmem:$0x18100] =	vst v63  }
0x1f0: {  	s29 =	simm.s32 $0xC900  }
0x1f1: {  	[tilespmem:s29], [sflag:$0x2] =	stream.indirect_vreg.gather [hbm4b:s5+s3], $0x80, v3, vm0, $0xb8;
	[tilespmem:$0x18100] =	vst v63  }
0x1f2: {  	s30 =	simm.s32 $0xD100  }
0x1f3: {  	[tilespmem:s30], [sflag:$0x2] =	stream.indirect_vreg.gather [hbm4b:s6+s3], $0x80, v3, vm0, $0xb8;
	[tilespmem:$0x18100] =	vst v63  }
0x1f4: {  	s31 =	simm.s32 $0xD900  }
0x1f5: {  	[tilespmem:s31], [sflag:$0x2] =	stream.indirect_vreg.gather [hbm4b:s7+s3], $0x80, v3, vm0, $0xb8;
	[tilespmem:$0x18100] =	vst v63  }
0x1f6: {  	s31 =	simm.s32 $0xE100  }
0x1f7: {  	[tilespmem:s31], [sflag:$0x2] =	stream.indirect_vreg.gather [hbm4b:s8+s3], $0x80, v3, vm0, $0xb8;
	[tilespmem:$0x18100] =	vst v63  }
0x1f8: {  	s18 =	simm.s32 $0xE900  }
0x1f9: {  	[tilespmem:s18], [sflag:$0x2] =	stream.indirect_vreg.gather [hbm4b:s9+s3], $0x80, v3, vm0, $0xb8;
	[tilespmem:$0x18100] =	vst v63  }
0x1fa: {  	s21 =	simm.s32 $0xF100  }
0x1fb: {  	[tilespmem:s21], [sflag:$0x2] =	stream.indirect_vreg.gather [hbm4b:s10+s3], $0x80, v3, vm0, $0xb8;
	[tilespmem:$0x18100] =	vst v63  }
0x1fc: {  	s18 =	simm.s32 $0xF900  }
0x1fd: {  	[tilespmem:s18], [sflag:$0x2] =	stream.indirect_vreg.gather [hbm4b:s11+s3], $0x80, v3, vm0, $0xb8;
	[tilespmem:$0x18100] =	vst v63  }
0x1fe: {  	_ =	swait.ge [sflag:s0], $0x8000  }
0x1ff: {  	[sflag:s0] =	ssyncset.done $0x0  }
0x200: {  	s18 =	rddreg [dreg:$0xd];
	[sflag:s0] =	ssyncadd.s32 $0xFFFF8000  }
0x201: {  	[hbm4b:s18+s3] =	stream.linear.scatter [tilespmem:s20], [sflag:$0x4], $0x8000, $0x38;
	[tilespmem:$0x18100] =	vst v63  }
0x202: {  	_ =	swait.ge [sflag:s17], $0x8000  }
0x203: {  	[sflag:s17] =	ssyncset.done $0x0  }
0x204: {  	[sflag:s17] =	ssyncadd.s32 $0xFFFF8000  }
0x205: {  	v3 =	vld [tilespmem:$0xB0];
	_ =	sdelay $0x4  }
0x206: {  	v59 =	vshll.u32 v3, $0x4  }
0x207: {  	v3 =	vand.u32 $0x7, v3;
	v4 =	vand.u32 $0xFFFFFF80, v59  }
0x208: {  	v3 =	vor.u32 v3, v4  }
0x209: {  	v4 =	vperm.xlane v3, v0;
	_ =	sdelay $0x1  }
0x20a: {  	v4 =	vadd.s32 v1, v4;
	_ =	sdelay $0x4  }
0x20b: {  	[tilespmem:s12], [sflag:$0x3] =	stream.indirect_vreg.gather [hbm4b:s2+s3], $0x80, v4, vm0, $0xb8;
	[tilespmem:$0x18100] =	vst v63  }
0x20c: {  	s18 =	simm.s32 $0x10900  }
0x20d: {  	[tilespmem:s18], [sflag:$0x3] =	stream.indirect_vreg.gather [hbm4b:s5+s3], $0x80, v4, vm0, $0xb8;
	[tilespmem:$0x18100] =	vst v63  }
0x20e: {  	s18 =	simm.s32 $0x11100  }
0x20f: {  	[tilespmem:s18], [sflag:$0x3] =	stream.indirect_vreg.gather [hbm4b:s6+s3], $0x80, v4, vm0, $0xb8;
	[tilespmem:$0x18100] =	vst v63  }
0x210: {  	s18 =	simm.s32 $0x11900  }
0x211: {  	[tilespmem:s18], [sflag:$0x3] =	stream.indirect_vreg.gather [hbm4b:s7+s3], $0x80, v4, vm0, $0xb8;
	[tilespmem:$0x18100] =	vst v63  }
0x212: {  	s18 =	simm.s32 $0x12100  }
0x213: {  	[tilespmem:s18], [sflag:$0x3] =	stream.indirect_vreg.gather [hbm4b:s8+s3], $0x80, v4, vm0, $0xb8;
	[tilespmem:$0x18100] =	vst v63  }
0x214: {  	v3 =	vperm.xlane v3, v2;
	s18 =	simm.s32 $0x12900  }
0x215: {  	[tilespmem:s18], [sflag:$0x3] =	stream.indirect_vreg.gather [hbm4b:s9+s3], $0x80, v4, vm0, $0xb8;
	[tilespmem:$0x18100] =	vst v63  }
0x216: {  	v3 =	vadd.s32 v1, v3;
	s18 =	simm.s32 $0x13100  }
0x217: {  	[tilespmem:s18], [sflag:$0x3] =	stream.indirect_vreg.gather [hbm4b:s10+s3], $0x80, v4, vm0, $0xb8;
	[tilespmem:$0x18100] =	vst v63  }
0x218: {  	s18 =	simm.s32 $0x13900  }
0x219: {  	[tilespmem:s18], [sflag:$0x3] =	stream.indirect_vreg.gather [hbm4b:s11+s3], $0x80, v4, vm0, $0xb8;
	[tilespmem:$0x18100] =	vst v63  }
0x21a: {  	s18 =	simm.s32 $0x14100  }
0x21b: {  	[tilespmem:s18], [sflag:$0x3] =	stream.indirect_vreg.gather [hbm4b:s2+s3], $0x80, v3, vm0, $0xb8;
	[tilespmem:$0x18100] =	vst v63  }
0x21c: {  	s18 =	simm.s32 $0x14900  }
0x21d: {  	[tilespmem:s18], [sflag:$0x3] =	stream.indirect_vreg.gather [hbm4b:s5+s3], $0x80, v3, vm0, $0xb8;
	[tilespmem:$0x18100] =	vst v63  }
0x21e: {  	s18 =	simm.s32 $0x15100  }
0x21f: {  	[tilespmem:s18], [sflag:$0x3] =	stream.indirect_vreg.gather [hbm4b:s6+s3], $0x80, v3, vm0, $0xb8;
	[tilespmem:$0x18100] =	vst v63  }
0x220: {  	s18 =	simm.s32 $0x15900  }
0x221: {  	[tilespmem:s18], [sflag:$0x3] =	stream.indirect_vreg.gather [hbm4b:s7+s3], $0x80, v3, vm0, $0xb8;
	[tilespmem:$0x18100] =	vst v63  }
0x222: {  	s18 =	simm.s32 $0x16100  }
0x223: {  	[tilespmem:s18], [sflag:$0x3] =	stream.indirect_vreg.gather [hbm4b:s8+s3], $0x80, v3, vm0, $0xb8;
	[tilespmem:$0x18100] =	vst v63  }
0x224: {  	s18 =	simm.s32 $0x16900  }
0x225: {  	[tilespmem:s18], [sflag:$0x3] =	stream.indirect_vreg.gather [hbm4b:s9+s3], $0x80, v3, vm0, $0xb8;
	[tilespmem:$0x18100] =	vst v63  }
0x226: {  	s18 =	simm.s32 $0x17100  }
0x227: {  	[tilespmem:s18], [sflag:$0x3] =	stream.indirect_vreg.gather [hbm4b:s10+s3], $0x80, v3, vm0, $0xb8;
	[tilespmem:$0x18100] =	vst v63  }
0x228: {  	s18 =	simm.s32 $0x17900  }
0x229: {  	[tilespmem:s18], [sflag:$0x3] =	stream.indirect_vreg.gather [hbm4b:s11+s3], $0x80, v3, vm0, $0xb8;
	[tilespmem:$0x18100] =	vst v63  }
0x22a: {  	_ =	swait.ge [sflag:s13], $0x8000  }
0x22b: {  	[sflag:s13] =	ssyncset.done $0x0  }
0x22c: {  	s18 =	rddreg [dreg:$0xe];
	[sflag:s13] =	ssyncadd.s32 $0xFFFF8000  }
0x22d: {  	[hbm4b:s18+s3] =	stream.linear.scatter [tilespmem:s1], [sflag:$0x5], $0x8000, $0x38;
	[tilespmem:$0x18100] =	vst v63  }
0x22e: {  	_ =	swait.ge [sflag:s4], $0x8000  }
0x22f: {  	[sflag:s4] =	ssyncset.done $0x0  }
0x230: {  	[sflag:s4] =	ssyncadd.s32 $0xFFFF8000  }
0x231: {  	v3 =	vld [tilespmem:$0xC0];
	_ =	sdelay $0x4  }
0x232: {  	v60 =	vshll.u32 v3, $0x4  }
0x233: {  	v3 =	vand.u32 $0x7, v3;
	v4 =	vand.u32 $0xFFFFFF80, v60  }
0x234: {  	v3 =	vor.u32 v3, v4  }
0x235: {  	v4 =	vperm.xlane v3, v0;
	_ =	sdelay $0x1  }
0x236: {  	v4 =	vadd.s32 v1, v4;
	_ =	sdelay $0x4  }
0x237: {  	[tilespmem:s20], [sflag:$0x1] =	stream.indirect_vreg.gather [hbm4b:s2+s3], $0x80, v4, vm0, $0xb8;
	[tilespmem:$0x18100] =	vst v63  }
0x238: {  	s18 =	simm.s32 $0x900  }
0x239: {  	[tilespmem:s18], [sflag:$0x1] =	stream.indirect_vreg.gather [hbm4b:s5+s3], $0x80, v4, vm0, $0xb8;
	[tilespmem:$0x18100] =	vst v63  }
0x23a: {  	s18 =	simm.s32 $0x1100  }
0x23b: {  	[tilespmem:s18], [sflag:$0x1] =	stream.indirect_vreg.gather [hbm4b:s6+s3], $0x80, v4, vm0, $0xb8;
	[tilespmem:$0x18100] =	vst v63  }
0x23c: {  	s18 =	simm.s32 $0x1900  }
0x23d: {  	[tilespmem:s18], [sflag:$0x1] =	stream.indirect_vreg.gather [hbm4b:s7+s3], $0x80, v4, vm0, $0xb8;
	[tilespmem:$0x18100] =	vst v63  }
0x23e: {  	s18 =	simm.s32 $0x2100  }
0x23f: {  	[tilespmem:s18], [sflag:$0x1] =	stream.indirect_vreg.gather [hbm4b:s8+s3], $0x80, v4, vm0, $0xb8;
	[tilespmem:$0x18100] =	vst v63  }
0x240: {  	v3 =	vperm.xlane v3, v2;
	s18 =	simm.s32 $0x2900  }
0x241: {  	[tilespmem:s18], [sflag:$0x1] =	stream.indirect_vreg.gather [hbm4b:s9+s3], $0x80, v4, vm0, $0xb8;
	[tilespmem:$0x18100] =	vst v63  }
0x242: {  	v3 =	vadd.s32 v1, v3;
	s18 =	simm.s32 $0x3100  }
0x243: {  	[tilespmem:s18], [sflag:$0x1] =	stream.indirect_vreg.gather [hbm4b:s10+s3], $0x80, v4, vm0, $0xb8;
	[tilespmem:$0x18100] =	vst v63  }
0x244: {  	s18 =	simm.s32 $0x3900  }
0x245: {  	[tilespmem:s18], [sflag:$0x1] =	stream.indirect_vreg.gather [hbm4b:s11+s3], $0x80, v4, vm0, $0xb8;
	[tilespmem:$0x18100] =	vst v63  }
0x246: {  	s18 =	simm.s32 $0x4100  }
0x247: {  	[tilespmem:s18], [sflag:$0x1] =	stream.indirect_vreg.gather [hbm4b:s2+s3], $0x80, v3, vm0, $0xb8;
	[tilespmem:$0x18100] =	vst v63  }
0x248: {  	s18 =	simm.s32 $0x4900  }
0x249: {  	[tilespmem:s18], [sflag:$0x1] =	stream.indirect_vreg.gather [hbm4b:s5+s3], $0x80, v3, vm0, $0xb8;
	[tilespmem:$0x18100] =	vst v63  }
0x24a: {  	s18 =	simm.s32 $0x5100  }
0x24b: {  	[tilespmem:s18], [sflag:$0x1] =	stream.indirect_vreg.gather [hbm4b:s6+s3], $0x80, v3, vm0, $0xb8;
	[tilespmem:$0x18100] =	vst v63  }
0x24c: {  	s18 =	simm.s32 $0x5900  }
0x24d: {  	[tilespmem:s18], [sflag:$0x1] =	stream.indirect_vreg.gather [hbm4b:s7+s3], $0x80, v3, vm0, $0xb8;
	[tilespmem:$0x18100] =	vst v63  }
0x24e: {  	s18 =	simm.s32 $0x6100  }
0x24f: {  	[tilespmem:s18], [sflag:$0x1] =	stream.indirect_vreg.gather [hbm4b:s8+s3], $0x80, v3, vm0, $0xb8;
	[tilespmem:$0x18100] =	vst v63  }
0x250: {  	s18 =	simm.s32 $0x6900  }
0x251: {  	[tilespmem:s18], [sflag:$0x1] =	stream.indirect_vreg.gather [hbm4b:s9+s3], $0x80, v3, vm0, $0xb8;
	[tilespmem:$0x18100] =	vst v63  }
0x252: {  	s18 =	simm.s32 $0x7100  }
0x253: {  	[tilespmem:s18], [sflag:$0x1] =	stream.indirect_vreg.gather [hbm4b:s10+s3], $0x80, v3, vm0, $0xb8;
	[tilespmem:$0x18100] =	vst v63  }
0x254: {  	s18 =	simm.s32 $0x7900  }
0x255: {  	[tilespmem:s18], [sflag:$0x1] =	stream.indirect_vreg.gather [hbm4b:s11+s3], $0x80, v3, vm0, $0xb8;
	[tilespmem:$0x18100] =	vst v63  }
0x256: {  	_ =	swait.ge [sflag:s15], $0x8000  }
0x257: {  	[sflag:s15] =	ssyncset.done $0x0  }
0x258: {  	s18 =	rddreg [dreg:$0xf];
	[sflag:s15] =	ssyncadd.s32 $0xFFFF8000  }
0x259: {  	[hbm4b:s18+s3] =	stream.linear.scatter [tilespmem:s12], [sflag:$0x6], $0x8000, $0x38;
	[tilespmem:$0x18100] =	vst v63  }
0x25a: {  	_ =	swait.ge [sflag:s16], $0x8000  }
0x25b: {  	[sflag:s16] =	ssyncset.done $0x0  }
0x25c: {  	[sflag:s16] =	ssyncadd.s32 $0xFFFF8000  }
0x25d: {  	v3 =	vld [tilespmem:$0xD0];
	_ =	sdelay $0x4  }
0x25e: {  	v61 =	vshll.u32 v3, $0x4  }
0x25f: {  	v3 =	vand.u32 $0x7, v3;
	v4 =	vand.u32 $0xFFFFFF80, v61  }
0x260: {  	v3 =	vor.u32 v3, v4  }
0x261: {  	v4 =	vperm.xlane v3, v0;
	_ =	sdelay $0x1  }
0x262: {  	v4 =	vadd.s32 v1, v4;
	_ =	sdelay $0x4  }
0x263: {  	[tilespmem:s1], [sflag:$0x2] =	stream.indirect_vreg.gather [hbm4b:s2+s3], $0x80, v4, vm0, $0xb8;
	[tilespmem:$0x18100] =	vst v63  }
0x264: {  	s14 =	simm.s32 $0x8900  }
0x265: {  	[tilespmem:s14], [sflag:$0x2] =	stream.indirect_vreg.gather [hbm4b:s5+s3], $0x80, v4, vm0, $0xb8;
	[tilespmem:$0x18100] =	vst v63  }
0x266: {  	s22 =	simm.s32 $0x9100  }
0x267: {  	[tilespmem:s22], [sflag:$0x2] =	stream.indirect_vreg.gather [hbm4b:s6+s3], $0x80, v4, vm0, $0xb8;
	[tilespmem:$0x18100] =	vst v63  }
0x268: {  	s23 =	simm.s32 $0x9900  }
0x269: {  	[tilespmem:s23], [sflag:$0x2] =	stream.indirect_vreg.gather [hbm4b:s7+s3], $0x80, v4, vm0, $0xb8;
	[tilespmem:$0x18100] =	vst v63  }
0x26a: {  	s19 =	simm.s32 $0xA100  }
0x26b: {  	[tilespmem:s19], [sflag:$0x2] =	stream.indirect_vreg.gather [hbm4b:s8+s3], $0x80, v4, vm0, $0xb8;
	[tilespmem:$0x18100] =	vst v63  }
0x26c: {  	v3 =	vperm.xlane v3, v2;
	s23 =	simm.s32 $0xA900  }
0x26d: {  	[tilespmem:s23], [sflag:$0x2] =	stream.indirect_vreg.gather [hbm4b:s9+s3], $0x80, v4, vm0, $0xb8;
	[tilespmem:$0x18100] =	vst v63  }
0x26e: {  	s24 =	simm.s32 $0xB100;
	v3 =	vadd.s32 v1, v3  }
0x26f: {  	[tilespmem:s24], [sflag:$0x2] =	stream.indirect_vreg.gather [hbm4b:s10+s3], $0x80, v4, vm0, $0xb8;
	[tilespmem:$0x18100] =	vst v63  }
0x270: {  	s25 =	simm.s32 $0xB900  }
0x271: {  	[tilespmem:s25], [sflag:$0x2] =	stream.indirect_vreg.gather [hbm4b:s11+s3], $0x80, v4, vm0, $0xb8;
	[tilespmem:$0x18100] =	vst v63  }
0x272: {  	s26 =	simm.s32 $0xC100  }
0x273: {  	[tilespmem:s26], [sflag:$0x2] =	stream.indirect_vreg.gather [hbm4b:s2+s3], $0x80, v3, vm0, $0xb8;
	[tilespmem:$0x18100] =	vst v63  }
0x274: {  	s28 =	simm.s32 $0xC900  }
0x275: {  	[tilespmem:s28], [sflag:$0x2] =	stream.indirect_vreg.gather [hbm4b:s5+s3], $0x80, v3, vm0, $0xb8;
	[tilespmem:$0x18100] =	vst v63  }
0x276: {  	s29 =	simm.s32 $0xD100  }
0x277: {  	[tilespmem:s29], [sflag:$0x2] =	stream.indirect_vreg.gather [hbm4b:s6+s3], $0x80, v3, vm0, $0xb8;
	[tilespmem:$0x18100] =	vst v63  }
0x278: {  	s30 =	simm.s32 $0xD900  }
0x279: {  	[tilespmem:s30], [sflag:$0x2] =	stream.indirect_vreg.gather [hbm4b:s7+s3], $0x80, v3, vm0, $0xb8;
	[tilespmem:$0x18100] =	vst v63  }
0x27a: {  	s31 =	simm.s32 $0xE100  }
0x27b: {  	[tilespmem:s31], [sflag:$0x2] =	stream.indirect_vreg.gather [hbm4b:s8+s3], $0x80, v3, vm0, $0xb8;
	[tilespmem:$0x18100] =	vst v63  }
0x27c: {  	s18 =	simm.s32 $0xE900  }
0x27d: {  	[tilespmem:s18], [sflag:$0x2] =	stream.indirect_vreg.gather [hbm4b:s9+s3], $0x80, v3, vm0, $0xb8;
	[tilespmem:$0x18100] =	vst v63  }
0x27e: {  	s21 =	simm.s32 $0xF100  }
0x27f: {  	[tilespmem:s21], [sflag:$0x2] =	stream.indirect_vreg.gather [hbm4b:s10+s3], $0x80, v3, vm0, $0xb8;
	[tilespmem:$0x18100] =	vst v63  }
0x280: {  	s19 =	simm.s32 $0xF900  }
0x281: {  	[tilespmem:s19], [sflag:$0x2] =	stream.indirect_vreg.gather [hbm4b:s11+s3], $0x80, v3, vm0, $0xb8;
	[tilespmem:$0x18100] =	vst v63  }
0x282: {  	_ =	swait.ge [sflag:s0], $0x8000  }
0x283: {  	[sflag:s0] =	ssyncset.done $0x0  }
0x284: {  	s21 =	rddreg [dreg:$0x10];
	[sflag:s0] =	ssyncadd.s32 $0xFFFF8000  }
0x285: {  	[hbm4b:s21+s3] =	stream.linear.scatter [tilespmem:s20], [sflag:$0x4], $0x8000, $0x38;
	[tilespmem:$0x18100] =	vst v63  }
0x286: {  	_ =	swait.ge [sflag:s17], $0x8000  }
0x287: {  	[sflag:s17] =	ssyncset.done $0x0  }
0x288: {  	[sflag:s17] =	ssyncadd.s32 $0xFFFF8000  }
0x289: {  	v3 =	vld [tilespmem:$0xE0];
	_ =	sdelay $0x4  }
0x28a: {  	v62 =	vshll.u32 v3, $0x4  }
0x28b: {  	v3 =	vand.u32 $0x7, v3;
	v4 =	vand.u32 $0xFFFFFF80, v62  }
0x28c: {  	v3 =	vor.u32 v3, v4  }
0x28d: {  	v4 =	vperm.xlane v3, v0;
	_ =	sdelay $0x1  }
0x28e: {  	v4 =	vadd.s32 v1, v4;
	_ =	sdelay $0x4  }
0x28f: {  	[tilespmem:s12], [sflag:$0x3] =	stream.indirect_vreg.gather [hbm4b:s2+s3], $0x80, v4, vm0, $0xb8;
	[tilespmem:$0x18100] =	vst v63  }
0x290: {  	s22 =	simm.s32 $0x10900  }
0x291: {  	[tilespmem:s22], [sflag:$0x3] =	stream.indirect_vreg.gather [hbm4b:s5+s3], $0x80, v4, vm0, $0xb8;
	[tilespmem:$0x18100] =	vst v63  }
0x292: {  	s23 =	simm.s32 $0x11100  }
0x293: {  	[tilespmem:s23], [sflag:$0x3] =	stream.indirect_vreg.gather [hbm4b:s6+s3], $0x80, v4, vm0, $0xb8;
	[tilespmem:$0x18100] =	vst v63  }
0x294: {  	s24 =	simm.s32 $0x11900  }
0x295: {  	[tilespmem:s24], [sflag:$0x3] =	stream.indirect_vreg.gather [hbm4b:s7+s3], $0x80, v4, vm0, $0xb8;
	[tilespmem:$0x18100] =	vst v63  }
0x296: {  	s25 =	simm.s32 $0x12100  }
0x297: {  	[tilespmem:s25], [sflag:$0x3] =	stream.indirect_vreg.gather [hbm4b:s8+s3], $0x80, v4, vm0, $0xb8;
	[tilespmem:$0x18100] =	vst v63  }
0x298: {  	s26 =	simm.s32 $0x12900;
	v3 =	vperm.xlane v3, v2  }
0x299: {  	[tilespmem:s26], [sflag:$0x3] =	stream.indirect_vreg.gather [hbm4b:s9+s3], $0x80, v4, vm0, $0xb8;
	[tilespmem:$0x18100] =	vst v63  }
0x29a: {  	s28 =	simm.s32 $0x13100;
	v3 =	vadd.s32 v1, v3  }
0x29b: {  	[tilespmem:s28], [sflag:$0x3] =	stream.indirect_vreg.gather [hbm4b:s10+s3], $0x80, v4, vm0, $0xb8;
	[tilespmem:$0x18100] =	vst v63  }
0x29c: {  	s29 =	simm.s32 $0x13900  }
0x29d: {  	[tilespmem:s29], [sflag:$0x3] =	stream.indirect_vreg.gather [hbm4b:s11+s3], $0x80, v4, vm0, $0xb8;
	[tilespmem:$0x18100] =	vst v63  }
0x29e: {  	s30 =	simm.s32 $0x14100  }
0x29f: {  	[tilespmem:s30], [sflag:$0x3] =	stream.indirect_vreg.gather [hbm4b:s2+s3], $0x80, v3, vm0, $0xb8;
	[tilespmem:$0x18100] =	vst v63  }
0x2a0: {  	s31 =	simm.s32 $0x14900  }
0x2a1: {  	[tilespmem:s31], [sflag:$0x3] =	stream.indirect_vreg.gather [hbm4b:s5+s3], $0x80, v3, vm0, $0xb8;
	[tilespmem:$0x18100] =	vst v63  }
0x2a2: {  	s18 =	simm.s32 $0x15100  }
0x2a3: {  	[tilespmem:s18], [sflag:$0x3] =	stream.indirect_vreg.gather [hbm4b:s6+s3], $0x80, v3, vm0, $0xb8;
	[tilespmem:$0x18100] =	vst v63  }
0x2a4: {  	s19 =	simm.s32 $0x15900  }
0x2a5: {  	[tilespmem:s19], [sflag:$0x3] =	stream.indirect_vreg.gather [hbm4b:s7+s3], $0x80, v3, vm0, $0xb8;
	[tilespmem:$0x18100] =	vst v63  }
0x2a6: {  	s21 =	simm.s32 $0x16100  }
0x2a7: {  	[tilespmem:s21], [sflag:$0x3] =	stream.indirect_vreg.gather [hbm4b:s8+s3], $0x80, v3, vm0, $0xb8;
	[tilespmem:$0x18100] =	vst v63  }
0x2a8: {  	s22 =	simm.s32 $0x16900  }
0x2a9: {  	[tilespmem:s22], [sflag:$0x3] =	stream.indirect_vreg.gather [hbm4b:s9+s3], $0x80, v3, vm0, $0xb8;
	[tilespmem:$0x18100] =	vst v63  }
0x2aa: {  	s23 =	simm.s32 $0x17100  }
0x2ab: {  	[tilespmem:s23], [sflag:$0x3] =	stream.indirect_vreg.gather [hbm4b:s10+s3], $0x80, v3, vm0, $0xb8;
	[tilespmem:$0x18100] =	vst v63  }
0x2ac: {  	s24 =	simm.s32 $0x17900  }
0x2ad: {  	[tilespmem:s24], [sflag:$0x3] =	stream.indirect_vreg.gather [hbm4b:s11+s3], $0x80, v3, vm0, $0xb8;
	[tilespmem:$0x18100] =	vst v63  }
0x2ae: {  	_ =	swait.ge [sflag:s13], $0x8000  }
0x2af: {  	[sflag:s13] =	ssyncset.done $0x0  }
0x2b0: {  	s25 =	rddreg [dreg:$0x11];
	[sflag:s13] =	ssyncadd.s32 $0xFFFF8000  }
0x2b1: {  	[hbm4b:s25+s3] =	stream.linear.scatter [tilespmem:s1], [sflag:$0x5], $0x8000, $0x38;
	[tilespmem:$0x18100] =	vst v63  }
0x2b2: {  	_ =	swait.ge [sflag:s4], $0x8000  }
0x2b3: {  	[sflag:s4] =	ssyncset.done $0x0  }
0x2b4: {  	[sflag:s4] =	ssyncadd.s32 $0xFFFF8000  }
0x2b5: {  	v3 =	vld [tilespmem:$0xF0];
	_ =	sdelay $0x4  }
0x2b6: {  	v63 =	vshll.u32 v3, $0x4  }
0x2b7: {  	v3 =	vand.u32 $0x7, v3;
	v4 =	vand.u32 $0xFFFFFF80, v63  }
0x2b8: {  	v3 =	vor.u32 v3, v4  }
0x2b9: {  	v4 =	vperm.xlane v3, v0;
	_ =	sdelay $0x1  }
0x2ba: {  	v4 =	vadd.s32 v1, v4;
	_ =	sdelay $0x4  }
0x2bb: {  	[tilespmem:s20], [sflag:$0x1] =	stream.indirect_vreg.gather [hbm4b:s2+s3], $0x80, v4, vm0, $0xb8;
	[tilespmem:$0x18100] =	vst v63  }
0x2bc: {  	s26 =	simm.s32 $0x900  }
0x2bd: {  	[tilespmem:s26], [sflag:$0x1] =	stream.indirect_vreg.gather [hbm4b:s5+s3], $0x80, v4, vm0, $0xb8;
	[tilespmem:$0x18100] =	vst v63  }
0x2be: {  	s28 =	simm.s32 $0x1100  }
0x2bf: {  	[tilespmem:s28], [sflag:$0x1] =	stream.indirect_vreg.gather [hbm4b:s6+s3], $0x80, v4, vm0, $0xb8;
	[tilespmem:$0x18100] =	vst v63  }
0x2c0: {  	s29 =	simm.s32 $0x1900  }
0x2c1: {  	[tilespmem:s29], [sflag:$0x1] =	stream.indirect_vreg.gather [hbm4b:s7+s3], $0x80, v4, vm0, $0xb8;
	[tilespmem:$0x18100] =	vst v63  }
0x2c2: {  	s30 =	simm.s32 $0x2100  }
0x2c3: {  	[tilespmem:s30], [sflag:$0x1] =	stream.indirect_vreg.gather [hbm4b:s8+s3], $0x80, v4, vm0, $0xb8;
	[tilespmem:$0x18100] =	vst v63  }
0x2c4: {  	s31 =	simm.s32 $0x2900;
	v3 =	vperm.xlane v3, v2  }
0x2c5: {  	[tilespmem:s31], [sflag:$0x1] =	stream.indirect_vreg.gather [hbm4b:s9+s3], $0x80, v4, vm0, $0xb8;
	[tilespmem:$0x18100] =	vst v63  }
0x2c6: {  	s14 =	simm.s32 $0x3100;
	v3 =	vadd.s32 v1, v3  }
0x2c7: {  	[tilespmem:s14], [sflag:$0x1] =	stream.indirect_vreg.gather [hbm4b:s10+s3], $0x80, v4, vm0, $0xb8;
	[tilespmem:$0x18100] =	vst v63  }
0x2c8: {  	s18 =	simm.s32 $0x3900  }
0x2c9: {  	[tilespmem:s18], [sflag:$0x1] =	stream.indirect_vreg.gather [hbm4b:s11+s3], $0x80, v4, vm0, $0xb8;
	[tilespmem:$0x18100] =	vst v63  }
0x2ca: {  	s19 =	simm.s32 $0x4100  }
0x2cb: {  	[tilespmem:s19], [sflag:$0x1] =	stream.indirect_vreg.gather [hbm4b:s2+s3], $0x80, v3, vm0, $0xb8;
	[tilespmem:$0x18100] =	vst v63  }
0x2cc: {  	s21 =	simm.s32 $0x4900  }
0x2cd: {  	[tilespmem:s21], [sflag:$0x1] =	stream.indirect_vreg.gather [hbm4b:s5+s3], $0x80, v3, vm0, $0xb8;
	[tilespmem:$0x18100] =	vst v63  }
0x2ce: {  	s22 =	simm.s32 $0x5100  }
0x2cf: {  	[tilespmem:s22], [sflag:$0x1] =	stream.indirect_vreg.gather [hbm4b:s6+s3], $0x80, v3, vm0, $0xb8;
	[tilespmem:$0x18100] =	vst v63  }
0x2d0: {  	s23 =	simm.s32 $0x5900  }
0x2d1: {  	[tilespmem:s23], [sflag:$0x1] =	stream.indirect_vreg.gather [hbm4b:s7+s3], $0x80, v3, vm0, $0xb8;
	[tilespmem:$0x18100] =	vst v63  }
0x2d2: {  	s24 =	simm.s32 $0x6100  }
0x2d3: {  	[tilespmem:s24], [sflag:$0x1] =	stream.indirect_vreg.gather [hbm4b:s8+s3], $0x80, v3, vm0, $0xb8;
	[tilespmem:$0x18100] =	vst v63  }
0x2d4: {  	s25 =	simm.s32 $0x6900  }
0x2d5: {  	[tilespmem:s25], [sflag:$0x1] =	stream.indirect_vreg.gather [hbm4b:s9+s3], $0x80, v3, vm0, $0xb8;
	[tilespmem:$0x18100] =	vst v63  }
0x2d6: {  	s26 =	simm.s32 $0x7100  }
0x2d7: {  	[tilespmem:s26], [sflag:$0x1] =	stream.indirect_vreg.gather [hbm4b:s10+s3], $0x80, v3, vm0, $0xb8;
	[tilespmem:$0x18100] =	vst v63  }
0x2d8: {  	s28 =	simm.s32 $0x7900  }
0x2d9: {  	[tilespmem:s28], [sflag:$0x1] =	stream.indirect_vreg.gather [hbm4b:s11+s3], $0x80, v3, vm0, $0xb8;
	[tilespmem:$0x18100] =	vst v63  }
0x2da: {  	_ =	swait.ge [sflag:s15], $0x8000  }
0x2db: {  	[sflag:s15] =	ssyncset.done $0x0  }
0x2dc: {  	s29 =	rddreg [dreg:$0x12];
	[sflag:s15] =	ssyncadd.s32 $0xFFFF8000  }
0x2dd: {  	[hbm4b:s29+s3] =	stream.linear.scatter [tilespmem:s12], [sflag:$0x6], $0x8000, $0x38;
	[tilespmem:$0x18100] =	vst v63  }
0x2de: {  	_ =	swait.ge [sflag:s0], $0x8000  }
0x2df: {  	[sflag:s0] =	ssyncset.done $0x0  }
0x2e0: {  	s30 =	rddreg [dreg:$0x13];
	[sflag:s0] =	ssyncadd.s32 $0xFFFF8000  }
0x2e1: {  	[hbm4b:s30+s3] =	stream.linear.scatter [tilespmem:s20], [sflag:$0x4], $0x8000, $0x38;
	[tilespmem:$0x18100] =	vst v63  }
0x2e2: {  	s31 =	rddreg [dreg:$0x17];
	_ =	swait.ge [sflag:s16], $0x8000  }
0x2e3: {  	[sflag:s16] =	ssyncset.done $0x0  }
0x2e4: {  	[sflag:s16] =	ssyncadd.s32 $0xFFFF8000  }
0x2e5: {  	p0 =	sne.s32 s31, $0x1;
	_ =	swait.ge [sflag:s17], $0x8000  }
.Ltmp0:
0x2e6: {  	[sflag:s17] =	ssyncset.done $0x0;
	(pc) =	sbr.rel @p0 .LBB2_1-.Ltmp0, $4  }
0x2e7: {  	[sflag:s17] =	ssyncadd.s32 $0xFFFF8000  }
0x2e8: {  	_ =	swait.ge [sflag:s4], $0x8000  }
0x2e9: {  	[sflag:s4] =	ssyncset.done $0x0  }
0x2ea: {  	s12 =	sadd.s32 $0xFFFFFFFF, s31;
	[sflag:s4] =	ssyncadd.s32 $0xFFFF8000  }
0x2eb: {  	_ =	sfence.sel $0x180000  }
0x2ec: {  	[bflag:$0x0] =	sbarrier.arrive $0xFFFF  }
0x2ed: {  	_ =	strace $0x90000047  }
0x2ee: {  	s0 =	stileid.u32;
	[bflag:$0x2] =	sbarrier.arrive $0xFFFF  }
0x2ef: {  	p0 =	sne.s32 s0, $0x0;
	s0 =	rddreg [dreg:$0x3]  }
0x2f0: {  	s0 =	sadd.s32 @!p0 $0x100000, s0  }
0x2f1: {  	[sflag:s0] =	ssyncadd.tile.s32 @!p0 $0x1;
	_ =	shalt  }
.Lfunc_end2:
_tile_overlayer_lowered:
.L_overlay_start_2:
0x2f2: {  	(tag) =	ssettag $0x2  }
0x2f3: {  	s0 =	rddreg [dreg:$0x0];
	s2 =	stileid.u32  }
0x2f4: {  	s1 =	rddreg [dreg:$0x1];
	p0 =	sne.s32 s2, $0x0  }
0x2f5: {  	s3 =	rddreg [dreg:$0x2];
	[bflag:$0x3] =	sbarrier.arrive $0xFFFF;
	s2 =	simm.s32 @!p0 $0x1C07  }
0x2f6: {  	[timem:s3], [sflag:s2] =	dma.local @!p0 [hbm:s0], s1  }
0x2f7: {  	s0 =	simm.s32 @!p0 $0x7  }
0x2f8: {  	_ =	swait.ge @!p0 [sflag:s0], s1  }
0x2f9: {  	s1 =	ssub.s32 @!p0 $0x0, s1;
	[sflag:s0] =	ssyncset.done @!p0 $0x0  }
0x2fa: {  	[sflag:s0] =	ssyncadd.s32 @!p0 s1  }
0x2fb: {  	[bflag:$0x3] =	sbarrier.arrive $0xFFFF  }
0x2fc: {  	_ =	shalt  }

</sc_bundles>
